<compile_context>
chip_gen: v7x
topology: tpu7x:2x2x1
jax: 0.10.2.dev20260603
libtpu: 0.0.44.dev20260713+nightly
codegen_flags: <defaults>
</compile_context>

<pallas_src>
import functools

import jax
import jax.numpy as jnp
from jax import lax
from jax.experimental import pallas as pl
from jax.experimental.pallas import tpu as pltpu
from jax.experimental.pallas import tpu_sc as plsc

VOCAB = 100001
VOCAB_P = 100096
EMBED_DIM = 32
BATCH = 16384

CHUNK = 512
WINDOW = 32


def _make_gather():
    info = plsc.get_sparse_core_info()
    nw = info.num_cores * info.num_subcores
    b_per_w = BATCH // nw
    n_chunks = b_per_w // CHUNK

    mesh = plsc.VectorSubcoreMesh(core_axis_name="c", subcore_axis_name="s")

    @functools.partial(
        pl.kernel,
        mesh=mesh,
        out_type=jax.ShapeDtypeStruct((EMBED_DIM, BATCH), jnp.float32),
        scratch_types=[
            pltpu.VMEM((b_per_w,), jnp.int32),
            pltpu.VMEM((EMBED_DIM, b_per_w), jnp.float32),
            pltpu.SemaphoreType.DMA,
        ],
        compiler_params=pltpu.CompilerParams(use_tc_tiling_on_sc=False),
    )
    def gather(idx_hbm, tab_t_hbm, o_hbm, ridx_v, vt, sem):
        wid = lax.axis_index("s") * info.num_cores + lax.axis_index("c")
        obase = wid * b_per_w
        pltpu.sync_copy(idx_hbm.at[pl.ds(obase, b_per_w)], ridx_v)

        copies = []
        for c in range(EMBED_DIM):
            for h in range(n_chunks):
                if len(copies) >= WINDOW:
                    copies[len(copies) - WINDOW].wait()
                copies.append(pltpu.async_copy(
                    tab_t_hbm.at[c].at[ridx_v.at[pl.ds(h * CHUNK, CHUNK)]],
                    vt.at[c, pl.ds(h * CHUNK, CHUNK)],
                    sem,
                ))
        for cp in copies[len(copies) - WINDOW:]:
            cp.wait()

        pltpu.sync_copy(vt, o_hbm.at[:, pl.ds(obase, b_per_w)])

    return gather


_gather = _make_gather()


def kernel(member_id, table):
    ids = member_id.astype(jnp.int32)
    tab_p = jnp.pad(table.T, ((0, 0), (0, VOCAB_P - VOCAB)))
    o = _gather(ids, tab_p)
    return o.T

# --- scband reference (transcript-rebuilt; emitter-appended) ---
"""Pipeline reference for scband-shxco-user-model-37744172597401 (READ-ONLY COPY).

The authoritative reference and input builder live on the scoring server;
editing this copy changes nothing except your own understanding.
"""

import jax, jax.numpy as jnp
import numpy as np

VOCAB = 100001
EMBED_DIM = 32
BATCH = 16384

def setup_inputs(seed: int = 0) -> dict:
    key = jax.random.key(seed)
    k1, k2 = jax.random.split(key)
    member_id = jax.random.randint(k1, (BATCH,), 0, VOCAB, dtype=jnp.int64 if jax.config.jax_enable_x64 else jnp.int32)
    table = jax.random.normal(k2, (VOCAB, EMBED_DIM), dtype=jnp.float32) * 0.05
    return {"member_id": member_id, "table": table}

def reference(member_id, table):
    # ShxcoUserModel.call: StringLookup maps member_id strings -> integer ids;
    # here member_id is already the integer id. Embedding layer = row gather.
    return jnp.take(table, member_id, axis=0)

if __name__ == "__main__":
    import jax
    _d = setup_inputs()
    print(jax.jit(kernel)(*tuple(_d.values())))

</pallas_src>

<mosaic_0001>
#map = affine_map<(d0, d1) -> (0)>
#map1 = affine_map<(d0, d1) -> (0, 0)>
module attributes {stable_mosaic.version = 14 : i64} {
  func.func @gather(%arg0: i32, %arg1: i32, %arg2: memref<16384xi32, #tpu.memory_space<hbm>>, %arg3: memref<32x100096xf32, #tpu.memory_space<hbm>>, %arg4: memref<32x16384xf32, #tpu.memory_space<hbm>>, %arg5: memref<512xi32, #tpu.memory_space<vmem>>, %arg6: memref<32x512xf32, #tpu.memory_space<vmem>>, %arg7: memref<!tpu.dma_semaphore, #tpu.memory_space<semaphore_mem>>) attributes {dimension_semantics = [#tpu.dimension_semantics<core_parallel>, #tpu.dimension_semantics<subcore_parallel>], iteration_bounds = array<i64: 2, 16>, scalar_prefetch = 0 : i64, scratch_operands = 3 : i64, tpu.core_type = #tpu.core_type<sc_vector_subcore>, window_params = [{transform_indices = #map}, {transform_indices = #map1}, {transform_indices = #map1}]} {
    %mul3A = arith.constant 2 : i32
    %mul3A_0 = arith.muli %arg1, %mul3A : i32
    %add3A = arith.addi %mul3A_0, %arg0 : i32
    %mul3A_1 = arith.constant 512 : i32
    %mul3A_2 = arith.muli %add3A, %mul3A_1 : i32
    "tpu.region"() ({
      %run_scoped3A = tpu.sem_alloc : memref<!tpu.dma_semaphore, #tpu.memory_space<semaphore_mem>>
      %dma_start3A_769 = tpu.memref_slice %arg2[%mul3A_2] : memref<16384xi32, #tpu.memory_space<hbm>> -> memref<512xi32, #tpu.memory_space<hbm>>
      %dma_start3A_770 = tpu.memref_slice %arg2[%mul3A_2] : memref<16384xi32, #tpu.memory_space<hbm>> -> memref<512xi32, #tpu.memory_space<hbm>>
      tpu.enqueue_dma source(%dma_start3A_770 : memref<512xi32, #tpu.memory_space<hbm>>) target(%arg5 : memref<512xi32, #tpu.memory_space<vmem>>) target_semaphore(%run_scoped3A : memref<!tpu.dma_semaphore, #tpu.memory_space<semaphore_mem>>)
      %dma_wait3A_771 = tpu.memref_slice %arg2[%mul3A_2] : memref<16384xi32, #tpu.memory_space<hbm>> -> memref<512xi32, #tpu.memory_space<hbm>>
      %dma_wait3A_772 = tpu.memref_slice %arg2[%mul3A_2] : memref<16384xi32, #tpu.memory_space<hbm>> -> memref<512xi32, #tpu.memory_space<hbm>>
      tpu.wait_dma2 semaphore(%run_scoped3A : memref<!tpu.dma_semaphore, #tpu.memory_space<semaphore_mem>>) src(%dma_wait3A_772 : memref<512xi32, #tpu.memory_space<hbm>>) dst(%arg5 : memref<512xi32, #tpu.memory_space<vmem>>)
      tpu.yield
    }) : () -> ()
    %dma_start3A = arith.constant 0 : i32
    %dma_start3A_3 = arith.constant 0 : i32
    %dma_start3A_4 = arith.constant 0 : i32
    %dma_start3A_5 = tpu.memref_slice %arg6[%dma_start3A_3, %dma_start3A_4] : memref<32x512xf32, #tpu.memory_space<vmem>> -> memref<1x512xf32, #tpu.memory_space<vmem>>
    %dma_start3A_6 = tpu.memref_squeeze %dma_start3A_5 : memref<1x512xf32, #tpu.memory_space<vmem>> -> memref<512xf32, #tpu.memory_space<vmem>>
    %dma_start3A_7 = arith.constant 0 : i32
    %dma_start3A_8 = tpu.memref_slice %arg5[%dma_start3A_7] : memref<512xi32, #tpu.memory_space<vmem>> -> memref<512xi32, #tpu.memory_space<vmem>>
    %dma_start3A_9 = arith.constant 0 : i32
    %dma_start3A_10 = tpu.memref_slice %arg3[%dma_start3A, %dma_start3A_9] : memref<32x100096xf32, #tpu.memory_space<hbm>> -> memref<1x100096xf32, #tpu.memory_space<hbm>>
    %dma_start3A_11 = tpu.memref_squeeze %dma_start3A_10 : memref<1x100096xf32, #tpu.memory_space<hbm>> -> memref<100096xf32, #tpu.memory_space<hbm>>
    %dma_start3A_12 = arith.constant 0 : i32
    %dma_start3A_13 = tpu.memref_slice %dma_start3A_11[%dma_start3A_12] : memref<100096xf32, #tpu.memory_space<hbm>> -> memref<100096xf32, #tpu.memory_space<hbm>>
    tpu.enqueue_indirect_dma source(%dma_start3A_13 : memref<100096xf32, #tpu.memory_space<hbm>>) target(%dma_start3A_6 : memref<512xf32, #tpu.memory_space<vmem>>) offsets(%dma_start3A_8 : memref<512xi32, #tpu.memory_space<vmem>>) semaphore(%arg7 : memref<!tpu.dma_semaphore, #tpu.memory_space<semaphore_mem>>)
    %dma_start3A_14 = arith.constant 1 : i32
    %dma_start3A_15 = arith.constant 1 : i32
    %dma_start3A_16 = arith.constant 0 : i32
    %dma_start3A_17 = tpu.memref_slice %arg6[%dma_start3A_15, %dma_start3A_16] : memref<32x512xf32, #tpu.memory_space<vmem>> -> memref<1x512xf32, #tpu.memory_space<vmem>>
    %dma_start3A_18 = tpu.memref_squeeze %dma_start3A_17 : memref<1x512xf32, #tpu.memory_space<vmem>> -> memref<512xf32, #tpu.memory_space<vmem>>
    %dma_start3A_19 = arith.constant 0 : i32
    %dma_start3A_20 = tpu.memref_slice %arg5[%dma_start3A_19] : memref<512xi32, #tpu.memory_space<vmem>> -> memref<512xi32, #tpu.memory_space<vmem>>
    %dma_start3A_21 = arith.constant 0 : i32
    %dma_start3A_22 = tpu.memref_slice %arg3[%dma_start3A_14, %dma_start3A_21] : memref<32x100096xf32, #tpu.memory_space<hbm>> -> memref<1x100096xf32, #tpu.memory_space<hbm>>
    %dma_start3A_23 = tpu.memref_squeeze %dma_start3A_22 : memref<1x100096xf32, #tpu.memory_space<hbm>> -> memref<100096xf32, #tpu.memory_space<hbm>>
    %dma_start3A_24 = arith.constant 0 : i32
    %dma_start3A_25 = tpu.memref_slice %dma_start3A_23[%dma_start3A_24] : memref<100096xf32, #tpu.memory_space<hbm>> -> memref<100096xf32, #tpu.memory_space<hbm>>
    tpu.enqueue_indirect_dma source(%dma_start3A_25 : memref<100096xf32, #tpu.memory_space<hbm>>) target(%dma_start3A_18 : memref<512xf32, #tpu.memory_space<vmem>>) offsets(%dma_start3A_20 : memref<512xi32, #tpu.memory_space<vmem>>) semaphore(%arg7 : memref<!tpu.dma_semaphore, #tpu.memory_space<semaphore_mem>>)
    %dma_start3A_26 = arith.constant 2 : i32
    %dma_start3A_27 = arith.constant 2 : i32
    %dma_start3A_28 = arith.constant 0 : i32
    %dma_start3A_29 = tpu.memref_slice %arg6[%dma_start3A_27, %dma_start3A_28] : memref<32x512xf32, #tpu.memory_space<vmem>> -> memref<1x512xf32, #tpu.memory_space<vmem>>
    %dma_start3A_30 = tpu.memref_squeeze %dma_start3A_29 : memref<1x512xf32, #tpu.memory_space<vmem>> -> memref<512xf32, #tpu.memory_space<vmem>>
    %dma_start3A_31 = arith.constant 0 : i32
    %dma_start3A_32 = tpu.memref_slice %arg5[%dma_start3A_31] : memref<512xi32, #tpu.memory_space<vmem>> -> memref<512xi32, #tpu.memory_space<vmem>>
    %dma_start3A_33 = arith.constant 0 : i32
    %dma_start3A_34 = tpu.memref_slice %arg3[%dma_start3A_26, %dma_start3A_33] : memref<32x100096xf32, #tpu.memory_space<hbm>> -> memref<1x100096xf32, #tpu.memory_space<hbm>>
    %dma_start3A_35 = tpu.memref_squeeze %dma_start3A_34 : memref<1x100096xf32, #tpu.memory_space<hbm>> -> memref<100096xf32, #tpu.memory_space<hbm>>
    %dma_start3A_36 = arith.constant 0 : i32
    %dma_start3A_37 = tpu.memref_slice %dma_start3A_35[%dma_start3A_36] : memref<100096xf32, #tpu.memory_space<hbm>> -> memref<100096xf32, #tpu.memory_space<hbm>>
    tpu.enqueue_indirect_dma source(%dma_start3A_37 : memref<100096xf32, #tpu.memory_space<hbm>>) target(%dma_start3A_30 : memref<512xf32, #tpu.memory_space<vmem>>) offsets(%dma_start3A_32 : memref<512xi32, #tpu.memory_space<vmem>>) semaphore(%arg7 : memref<!tpu.dma_semaphore, #tpu.memory_space<semaphore_mem>>)
    %dma_start3A_38 = arith.constant 3 : i32
    %dma_start3A_39 = arith.constant 3 : i32
    %dma_start3A_40 = arith.constant 0 : i32
    %dma_start3A_41 = tpu.memref_slice %arg6[%dma_start3A_39, %dma_start3A_40] : memref<32x512xf32, #tpu.memory_space<vmem>> -> memref<1x512xf32, #tpu.memory_space<vmem>>
    %dma_start3A_42 = tpu.memref_squeeze %dma_start3A_41 : memref<1x512xf32, #tpu.memory_space<vmem>> -> memref<512xf32, #tpu.memory_space<vmem>>
    %dma_start3A_43 = arith.constant 0 : i32
    %dma_start3A_44 = tpu.memref_slice %arg5[%dma_start3A_43] : memref<512xi32, #tpu.memory_space<vmem>> -> memref<512xi32, #tpu.memory_space<vmem>>
    %dma_start3A_45 = arith.constant 0 : i32
    %dma_start3A_46 = tpu.memref_slice %arg3[%dma_start3A_38, %dma_start3A_45] : memref<32x100096xf32, #tpu.memory_space<hbm>> -> memref<1x100096xf32, #tpu.memory_space<hbm>>
    %dma_start3A_47 = tpu.memref_squeeze %dma_start3A_46 : memref<1x100096xf32, #tpu.memory_space<hbm>> -> memref<100096xf32, #tpu.memory_space<hbm>>
    %dma_start3A_48 = arith.constant 0 : i32
    %dma_start3A_49 = tpu.memref_slice %dma_start3A_47[%dma_start3A_48] : memref<100096xf32, #tpu.memory_space<hbm>> -> memref<100096xf32, #tpu.memory_space<hbm>>
    tpu.enqueue_indirect_dma source(%dma_start3A_49 : memref<100096xf32, #tpu.memory_space<hbm>>) target(%dma_start3A_42 : memref<512xf32, #tpu.memory_space<vmem>>) offsets(%dma_start3A_44 : memref<512xi32, #tpu.memory_space<vmem>>) semaphore(%arg7 : memref<!tpu.dma_semaphore, #tpu.memory_space<semaphore_mem>>)
    %dma_start3A_50 = arith.constant 4 : i32
    %dma_start3A_51 = arith.constant 4 : i32
    %dma_start3A_52 = arith.constant 0 : i32
    %dma_start3A_53 = tpu.memref_slice %arg6[%dma_start3A_51, %dma_start3A_52] : memref<32x512xf32, #tpu.memory_space<vmem>> -> memref<1x512xf32, #tpu.memory_space<vmem>>
    %dma_start3A_54 = tpu.memref_squeeze %dma_start3A_53 : memref<1x512xf32, #tpu.memory_space<vmem>> -> memref<512xf32, #tpu.memory_space<vmem>>
    %dma_start3A_55 = arith.constant 0 : i32
    %dma_start3A_56 = tpu.memref_slice %arg5[%dma_start3A_55] : memref<512xi32, #tpu.memory_space<vmem>> -> memref<512xi32, #tpu.memory_space<vmem>>
    %dma_start3A_57 = arith.constant 0 : i32
    %dma_start3A_58 = tpu.memref_slice %arg3[%dma_start3A_50, %dma_start3A_57] : memref<32x100096xf32, #tpu.memory_space<hbm>> -> memref<1x100096xf32, #tpu.memory_space<hbm>>
    %dma_start3A_59 = tpu.memref_squeeze %dma_start3A_58 : memref<1x100096xf32, #tpu.memory_space<hbm>> -> memref<100096xf32, #tpu.memory_space<hbm>>
    %dma_start3A_60 = arith.constant 0 : i32
    %dma_start3A_61 = tpu.memref_slice %dma_start3A_59[%dma_start3A_60] : memref<100096xf32, #tpu.memory_space<hbm>> -> memref<100096xf32, #tpu.memory_space<hbm>>
    tpu.enqueue_indirect_dma source(%dma_start3A_61 : memref<100096xf32, #tpu.memory_space<hbm>>) target(%dma_start3A_54 : memref<512xf32, #tpu.memory_space<vmem>>) offsets(%dma_start3A_56 : memref<512xi32, #tpu.memory_space<vmem>>) semaphore(%arg7 : memref<!tpu.dma_semaphore, #tpu.memory_space<semaphore_mem>>)
    %dma_start3A_62 = arith.constant 5 : i32
    %dma_start3A_63 = arith.constant 5 : i32
    %dma_start3A_64 = arith.constant 0 : i32
    %dma_start3A_65 = tpu.memref_slice %arg6[%dma_start3A_63, %dma_start3A_64] : memref<32x512xf32, #tpu.memory_space<vmem>> -> memref<1x512xf32, #tpu.memory_space<vmem>>
    %dma_start3A_66 = tpu.memref_squeeze %dma_start3A_65 : memref<1x512xf32, #tpu.memory_space<vmem>> -> memref<512xf32, #tpu.memory_space<vmem>>
    %dma_start3A_67 = arith.constant 0 : i32
    %dma_start3A_68 = tpu.memref_slice %arg5[%dma_start3A_67] : memref<512xi32, #tpu.memory_space<vmem>> -> memref<512xi32, #tpu.memory_space<vmem>>
    %dma_start3A_69 = arith.constant 0 : i32
    %dma_start3A_70 = tpu.memref_slice %arg3[%dma_start3A_62, %dma_start3A_69] : memref<32x100096xf32, #tpu.memory_space<hbm>> -> memref<1x100096xf32, #tpu.memory_space<hbm>>
    %dma_start3A_71 = tpu.memref_squeeze %dma_start3A_70 : memref<1x100096xf32, #tpu.memory_space<hbm>> -> memref<100096xf32, #tpu.memory_space<hbm>>
    %dma_start3A_72 = arith.constant 0 : i32
    %dma_start3A_73 = tpu.memref_slice %dma_start3A_71[%dma_start3A_72] : memref<100096xf32, #tpu.memory_space<hbm>> -> memref<100096xf32, #tpu.memory_space<hbm>>
    tpu.enqueue_indirect_dma source(%dma_start3A_73 : memref<100096xf32, #tpu.memory_space<hbm>>) target(%dma_start3A_66 : memref<512xf32, #tpu.memory_space<vmem>>) offsets(%dma_start3A_68 : memref<512xi32, #tpu.memory_space<vmem>>) semaphore(%arg7 : memref<!tpu.dma_semaphore, #tpu.memory_space<semaphore_mem>>)
    %dma_start3A_74 = arith.constant 6 : i32
    %dma_start3A_75 = arith.constant 6 : i32
    %dma_start3A_76 = arith.constant 0 : i32
    %dma_start3A_77 = tpu.memref_slice %arg6[%dma_start3A_75, %dma_start3A_76] : memref<32x512xf32, #tpu.memory_space<vmem>> -> memref<1x512xf32, #tpu.memory_space<vmem>>
    %dma_start3A_78 = tpu.memref_squeeze %dma_start3A_77 : memref<1x512xf32, #tpu.memory_space<vmem>> -> memref<512xf32, #tpu.memory_space<vmem>>
    %dma_start3A_79 = arith.constant 0 : i32
    %dma_start3A_80 = tpu.memref_slice %arg5[%dma_start3A_79] : memref<512xi32, #tpu.memory_space<vmem>> -> memref<512xi32, #tpu.memory_space<vmem>>
    %dma_start3A_81 = arith.constant 0 : i32
    %dma_start3A_82 = tpu.memref_slice %arg3[%dma_start3A_74, %dma_start3A_81] : memref<32x100096xf32, #tpu.memory_space<hbm>> -> memref<1x100096xf32, #tpu.memory_space<hbm>>
    %dma_start3A_83 = tpu.memref_squeeze %dma_start3A_82 : memref<1x100096xf32, #tpu.memory_space<hbm>> -> memref<100096xf32, #tpu.memory_space<hbm>>
    %dma_start3A_84 = arith.constant 0 : i32
    %dma_start3A_85 = tpu.memref_slice %dma_start3A_83[%dma_start3A_84] : memref<100096xf32, #tpu.memory_space<hbm>> -> memref<100096xf32, #tpu.memory_space<hbm>>
    tpu.enqueue_indirect_dma source(%dma_start3A_85 : memref<100096xf32, #tpu.memory_space<hbm>>) target(%dma_start3A_78 : memref<512xf32, #tpu.memory_space<vmem>>) offsets(%dma_start3A_80 : memref<512xi32, #tpu.memory_space<vmem>>) semaphore(%arg7 : memref<!tpu.dma_semaphore, #tpu.memory_space<semaphore_mem>>)
    %dma_start3A_86 = arith.constant 7 : i32
    %dma_start3A_87 = arith.constant 7 : i32
    %dma_start3A_88 = arith.constant 0 : i32
    %dma_start3A_89 = tpu.memref_slice %arg6[%dma_start3A_87, %dma_start3A_88] : memref<32x512xf32, #tpu.memory_space<vmem>> -> memref<1x512xf32, #tpu.memory_space<vmem>>
    %dma_start3A_90 = tpu.memref_squeeze %dma_start3A_89 : memref<1x512xf32, #tpu.memory_space<vmem>> -> memref<512xf32, #tpu.memory_space<vmem>>
    %dma_start3A_91 = arith.constant 0 : i32
    %dma_start3A_92 = tpu.memref_slice %arg5[%dma_start3A_91] : memref<512xi32, #tpu.memory_space<vmem>> -> memref<512xi32, #tpu.memory_space<vmem>>
    %dma_start3A_93 = arith.constant 0 : i32
    %dma_start3A_94 = tpu.memref_slice %arg3[%dma_start3A_86, %dma_start3A_93] : memref<32x100096xf32, #tpu.memory_space<hbm>> -> memref<1x100096xf32, #tpu.memory_space<hbm>>
    %dma_start3A_95 = tpu.memref_squeeze %dma_start3A_94 : memref<1x100096xf32, #tpu.memory_space<hbm>> -> memref<100096xf32, #tpu.memory_space<hbm>>
    %dma_start3A_96 = arith.constant 0 : i32
    %dma_start3A_97 = tpu.memref_slice %dma_start3A_95[%dma_start3A_96] : memref<100096xf32, #tpu.memory_space<hbm>> -> memref<100096xf32, #tpu.memory_space<hbm>>
    tpu.enqueue_indirect_dma source(%dma_start3A_97 : memref<100096xf32, #tpu.memory_space<hbm>>) target(%dma_start3A_90 : memref<512xf32, #tpu.memory_space<vmem>>) offsets(%dma_start3A_92 : memref<512xi32, #tpu.memory_space<vmem>>) semaphore(%arg7 : memref<!tpu.dma_semaphore, #tpu.memory_space<semaphore_mem>>)
    %dma_start3A_98 = arith.constant 8 : i32
    %dma_start3A_99 = arith.constant 8 : i32
    %dma_start3A_100 = arith.constant 0 : i32
    %dma_start3A_101 = tpu.memref_slice %arg6[%dma_start3A_99, %dma_start3A_100] : memref<32x512xf32, #tpu.memory_space<vmem>> -> memref<1x512xf32, #tpu.memory_space<vmem>>
    %dma_start3A_102 = tpu.memref_squeeze %dma_start3A_101 : memref<1x512xf32, #tpu.memory_space<vmem>> -> memref<512xf32, #tpu.memory_space<vmem>>
    %dma_start3A_103 = arith.constant 0 : i32
    %dma_start3A_104 = tpu.memref_slice %arg5[%dma_start3A_103] : memref<512xi32, #tpu.memory_space<vmem>> -> memref<512xi32, #tpu.memory_space<vmem>>
    %dma_start3A_105 = arith.constant 0 : i32
    %dma_start3A_106 = tpu.memref_slice %arg3[%dma_start3A_98, %dma_start3A_105] : memref<32x100096xf32, #tpu.memory_space<hbm>> -> memref<1x100096xf32, #tpu.memory_space<hbm>>
    %dma_start3A_107 = tpu.memref_squeeze %dma_start3A_106 : memref<1x100096xf32, #tpu.memory_space<hbm>> -> memref<100096xf32, #tpu.memory_space<hbm>>
    %dma_start3A_108 = arith.constant 0 : i32
    %dma_start3A_109 = tpu.memref_slice %dma_start3A_107[%dma_start3A_108] : memref<100096xf32, #tpu.memory_space<hbm>> -> memref<100096xf32, #tpu.memory_space<hbm>>
    tpu.enqueue_indirect_dma source(%dma_start3A_109 : memref<100096xf32, #tpu.memory_space<hbm>>) target(%dma_start3A_102 : memref<512xf32, #tpu.memory_space<vmem>>) offsets(%dma_start3A_104 : memref<512xi32, #tpu.memory_space<vmem>>) semaphore(%arg7 : memref<!tpu.dma_semaphore, #tpu.memory_space<semaphore_mem>>)
    %dma_start3A_110 = arith.constant 9 : i32
    %dma_start3A_111 = arith.constant 9 : i32
    %dma_start3A_112 = arith.constant 0 : i32
    %dma_start3A_113 = tpu.memref_slice %arg6[%dma_start3A_111, %dma_start3A_112] : memref<32x512xf32, #tpu.memory_space<vmem>> -> memref<1x512xf32, #tpu.memory_space<vmem>>
    %dma_start3A_114 = tpu.memref_squeeze %dma_start3A_113 : memref<1x512xf32, #tpu.memory_space<vmem>> -> memref<512xf32, #tpu.memory_space<vmem>>
    %dma_start3A_115 = arith.constant 0 : i32
    %dma_start3A_116 = tpu.memref_slice %arg5[%dma_start3A_115] : memref<512xi32, #tpu.memory_space<vmem>> -> memref<512xi32, #tpu.memory_space<vmem>>
    %dma_start3A_117 = arith.constant 0 : i32
    %dma_start3A_118 = tpu.memref_slice %arg3[%dma_start3A_110, %dma_start3A_117] : memref<32x100096xf32, #tpu.memory_space<hbm>> -> memref<1x100096xf32, #tpu.memory_space<hbm>>
    %dma_start3A_119 = tpu.memref_squeeze %dma_start3A_118 : memref<1x100096xf32, #tpu.memory_space<hbm>> -> memref<100096xf32, #tpu.memory_space<hbm>>
    %dma_start3A_120 = arith.constant 0 : i32
    %dma_start3A_121 = tpu.memref_slice %dma_start3A_119[%dma_start3A_120] : memref<100096xf32, #tpu.memory_space<hbm>> -> memref<100096xf32, #tpu.memory_space<hbm>>
    tpu.enqueue_indirect_dma source(%dma_start3A_121 : memref<100096xf32, #tpu.memory_space<hbm>>) target(%dma_start3A_114 : memref<512xf32, #tpu.memory_space<vmem>>) offsets(%dma_start3A_116 : memref<512xi32, #tpu.memory_space<vmem>>) semaphore(%arg7 : memref<!tpu.dma_semaphore, #tpu.memory_space<semaphore_mem>>)
    %dma_start3A_122 = arith.constant 10 : i32
    %dma_start3A_123 = arith.constant 10 : i32
    %dma_start3A_124 = arith.constant 0 : i32
    %dma_start3A_125 = tpu.memref_slice %arg6[%dma_start3A_123, %dma_start3A_124] : memref<32x512xf32, #tpu.memory_space<vmem>> -> memref<1x512xf32, #tpu.memory_space<vmem>>
    %dma_start3A_126 = tpu.memref_squeeze %dma_start3A_125 : memref<1x512xf32, #tpu.memory_space<vmem>> -> memref<512xf32, #tpu.memory_space<vmem>>
    %dma_start3A_127 = arith.constant 0 : i32
    %dma_start3A_128 = tpu.memref_slice %arg5[%dma_start3A_127] : memref<512xi32, #tpu.memory_space<vmem>> -> memref<512xi32, #tpu.memory_space<vmem>>
    %dma_start3A_129 = arith.constant 0 : i32
    %dma_start3A_130 = tpu.memref_slice %arg3[%dma_start3A_122, %dma_start3A_129] : memref<32x100096xf32, #tpu.memory_space<hbm>> -> memref<1x100096xf32, #tpu.memory_space<hbm>>
    %dma_start3A_131 = tpu.memref_squeeze %dma_start3A_130 : memref<1x100096xf32, #tpu.memory_space<hbm>> -> memref<100096xf32, #tpu.memory_space<hbm>>
    %dma_start3A_132 = arith.constant 0 : i32
    %dma_start3A_133 = tpu.memref_slice %dma_start3A_131[%dma_start3A_132] : memref<100096xf32, #tpu.memory_space<hbm>> -> memref<100096xf32, #tpu.memory_space<hbm>>
    tpu.enqueue_indirect_dma source(%dma_start3A_133 : memref<100096xf32, #tpu.memory_space<hbm>>) target(%dma_start3A_126 : memref<512xf32, #tpu.memory_space<vmem>>) offsets(%dma_start3A_128 : memref<512xi32, #tpu.memory_space<vmem>>) semaphore(%arg7 : memref<!tpu.dma_semaphore, #tpu.memory_space<semaphore_mem>>)
    %dma_start3A_134 = arith.constant 11 : i32
    %dma_start3A_135 = arith.constant 11 : i32
    %dma_start3A_136 = arith.constant 0 : i32
    %dma_start3A_137 = tpu.memref_slice %arg6[%dma_start3A_135, %dma_start3A_136] : memref<32x512xf32, #tpu.memory_space<vmem>> -> memref<1x512xf32, #tpu.memory_space<vmem>>
    %dma_start3A_138 = tpu.memref_squeeze %dma_start3A_137 : memref<1x512xf32, #tpu.memory_space<vmem>> -> memref<512xf32, #tpu.memory_space<vmem>>
    %dma_start3A_139 = arith.constant 0 : i32
    %dma_start3A_140 = tpu.memref_slice %arg5[%dma_start3A_139] : memref<512xi32, #tpu.memory_space<vmem>> -> memref<512xi32, #tpu.memory_space<vmem>>
    %dma_start3A_141 = arith.constant 0 : i32
    %dma_start3A_142 = tpu.memref_slice %arg3[%dma_start3A_134, %dma_start3A_141] : memref<32x100096xf32, #tpu.memory_space<hbm>> -> memref<1x100096xf32, #tpu.memory_space<hbm>>
    %dma_start3A_143 = tpu.memref_squeeze %dma_start3A_142 : memref<1x100096xf32, #tpu.memory_space<hbm>> -> memref<100096xf32, #tpu.memory_space<hbm>>
    %dma_start3A_144 = arith.constant 0 : i32
    %dma_start3A_145 = tpu.memref_slice %dma_start3A_143[%dma_start3A_144] : memref<100096xf32, #tpu.memory_space<hbm>> -> memref<100096xf32, #tpu.memory_space<hbm>>
    tpu.enqueue_indirect_dma source(%dma_start3A_145 : memref<100096xf32, #tpu.memory_space<hbm>>) target(%dma_start3A_138 : memref<512xf32, #tpu.memory_space<vmem>>) offsets(%dma_start3A_140 : memref<512xi32, #tpu.memory_space<vmem>>) semaphore(%arg7 : memref<!tpu.dma_semaphore, #tpu.memory_space<semaphore_mem>>)
    %dma_start3A_146 = arith.constant 12 : i32
    %dma_start3A_147 = arith.constant 12 : i32
    %dma_start3A_148 = arith.constant 0 : i32
    %dma_start3A_149 = tpu.memref_slice %arg6[%dma_start3A_147, %dma_start3A_148] : memref<32x512xf32, #tpu.memory_space<vmem>> -> memref<1x512xf32, #tpu.memory_space<vmem>>
    %dma_start3A_150 = tpu.memref_squeeze %dma_start3A_149 : memref<1x512xf32, #tpu.memory_space<vmem>> -> memref<512xf32, #tpu.memory_space<vmem>>
    %dma_start3A_151 = arith.constant 0 : i32
    %dma_start3A_152 = tpu.memref_slice %arg5[%dma_start3A_151] : memref<512xi32, #tpu.memory_space<vmem>> -> memref<512xi32, #tpu.memory_space<vmem>>
    %dma_start3A_153 = arith.constant 0 : i32
    %dma_start3A_154 = tpu.memref_slice %arg3[%dma_start3A_146, %dma_start3A_153] : memref<32x100096xf32, #tpu.memory_space<hbm>> -> memref<1x100096xf32, #tpu.memory_space<hbm>>
    %dma_start3A_155 = tpu.memref_squeeze %dma_start3A_154 : memref<1x100096xf32, #tpu.memory_space<hbm>> -> memref<100096xf32, #tpu.memory_space<hbm>>
    %dma_start3A_156 = arith.constant 0 : i32
    %dma_start3A_157 = tpu.memref_slice %dma_start3A_155[%dma_start3A_156] : memref<100096xf32, #tpu.memory_space<hbm>> -> memref<100096xf32, #tpu.memory_space<hbm>>
    tpu.enqueue_indirect_dma source(%dma_start3A_157 : memref<100096xf32, #tpu.memory_space<hbm>>) target(%dma_start3A_150 : memref<512xf32, #tpu.memory_space<vmem>>) offsets(%dma_start3A_152 : memref<512xi32, #tpu.memory_space<vmem>>) semaphore(%arg7 : memref<!tpu.dma_semaphore, #tpu.memory_space<semaphore_mem>>)
    %dma_start3A_158 = arith.constant 13 : i32
    %dma_start3A_159 = arith.constant 13 : i32
    %dma_start3A_160 = arith.constant 0 : i32
    %dma_start3A_161 = tpu.memref_slice %arg6[%dma_start3A_159, %dma_start3A_160] : memref<32x512xf32, #tpu.memory_space<vmem>> -> memref<1x512xf32, #tpu.memory_space<vmem>>
    %dma_start3A_162 = tpu.memref_squeeze %dma_start3A_161 : memref<1x512xf32, #tpu.memory_space<vmem>> -> memref<512xf32, #tpu.memory_space<vmem>>
    %dma_start3A_163 = arith.constant 0 : i32
    %dma_start3A_164 = tpu.memref_slice %arg5[%dma_start3A_163] : memref<512xi32, #tpu.memory_space<vmem>> -> memref<512xi32, #tpu.memory_space<vmem>>
    %dma_start3A_165 = arith.constant 0 : i32
    %dma_start3A_166 = tpu.memref_slice %arg3[%dma_start3A_158, %dma_start3A_165] : memref<32x100096xf32, #tpu.memory_space<hbm>> -> memref<1x100096xf32, #tpu.memory_space<hbm>>
    %dma_start3A_167 = tpu.memref_squeeze %dma_start3A_166 : memref<1x100096xf32, #tpu.memory_space<hbm>> -> memref<100096xf32, #tpu.memory_space<hbm>>
    %dma_start3A_168 = arith.constant 0 : i32
    %dma_start3A_169 = tpu.memref_slice %dma_start3A_167[%dma_start3A_168] : memref<100096xf32, #tpu.memory_space<hbm>> -> memref<100096xf32, #tpu.memory_space<hbm>>
    tpu.enqueue_indirect_dma source(%dma_start3A_169 : memref<100096xf32, #tpu.memory_space<hbm>>) target(%dma_start3A_162 : memref<512xf32, #tpu.memory_space<vmem>>) offsets(%dma_start3A_164 : memref<512xi32, #tpu.memory_space<vmem>>) semaphore(%arg7 : memref<!tpu.dma_semaphore, #tpu.memory_space<semaphore_mem>>)
    %dma_start3A_170 = arith.constant 14 : i32
    %dma_start3A_171 = arith.constant 14 : i32
    %dma_start3A_172 = arith.constant 0 : i32
    %dma_start3A_173 = tpu.memref_slice %arg6[%dma_start3A_171, %dma_start3A_172] : memref<32x512xf32, #tpu.memory_space<vmem>> -> memref<1x512xf32, #tpu.memory_space<vmem>>
    %dma_start3A_174 = tpu.memref_squeeze %dma_start3A_173 : memref<1x512xf32, #tpu.memory_space<vmem>> -> memref<512xf32, #tpu.memory_space<vmem>>
    %dma_start3A_175 = arith.constant 0 : i32
    %dma_start3A_176 = tpu.memref_slice %arg5[%dma_start3A_175] : memref<512xi32, #tpu.memory_space<vmem>> -> memref<512xi32, #tpu.memory_space<vmem>>
    %dma_start3A_177 = arith.constant 0 : i32
    %dma_start3A_178 = tpu.memref_slice %arg3[%dma_start3A_170, %dma_start3A_177] : memref<32x100096xf32, #tpu.memory_space<hbm>> -> memref<1x100096xf32, #tpu.memory_space<hbm>>
    %dma_start3A_179 = tpu.memref_squeeze %dma_start3A_178 : memref<1x100096xf32, #tpu.memory_space<hbm>> -> memref<100096xf32, #tpu.memory_space<hbm>>
    %dma_start3A_180 = arith.constant 0 : i32
    %dma_start3A_181 = tpu.memref_slice %dma_start3A_179[%dma_start3A_180] : memref<100096xf32, #tpu.memory_space<hbm>> -> memref<100096xf32, #tpu.memory_space<hbm>>
    tpu.enqueue_indirect_dma source(%dma_start3A_181 : memref<100096xf32, #tpu.memory_space<hbm>>) target(%dma_start3A_174 : memref<512xf32, #tpu.memory_space<vmem>>) offsets(%dma_start3A_176 : memref<512xi32, #tpu.memory_space<vmem>>) semaphore(%arg7 : memref<!tpu.dma_semaphore, #tpu.memory_space<semaphore_mem>>)
    %dma_start3A_182 = arith.constant 15 : i32
    %dma_start3A_183 = arith.constant 15 : i32
    %dma_start3A_184 = arith.constant 0 : i32
    %dma_start3A_185 = tpu.memref_slice %arg6[%dma_start3A_183, %dma_start3A_184] : memref<32x512xf32, #tpu.memory_space<vmem>> -> memref<1x512xf32, #tpu.memory_space<vmem>>
    %dma_start3A_186 = tpu.memref_squeeze %dma_start3A_185 : memref<1x512xf32, #tpu.memory_space<vmem>> -> memref<512xf32, #tpu.memory_space<vmem>>
    %dma_start3A_187 = arith.constant 0 : i32
    %dma_start3A_188 = tpu.memref_slice %arg5[%dma_start3A_187] : memref<512xi32, #tpu.memory_space<vmem>> -> memref<512xi32, #tpu.memory_space<vmem>>
    %dma_start3A_189 = arith.constant 0 : i32
    %dma_start3A_190 = tpu.memref_slice %arg3[%dma_start3A_182, %dma_start3A_189] : memref<32x100096xf32, #tpu.memory_space<hbm>> -> memref<1x100096xf32, #tpu.memory_space<hbm>>
    %dma_start3A_191 = tpu.memref_squeeze %dma_start3A_190 : memref<1x100096xf32, #tpu.memory_space<hbm>> -> memref<100096xf32, #tpu.memory_space<hbm>>
    %dma_start3A_192 = arith.constant 0 : i32
    %dma_start3A_193 = tpu.memref_slice %dma_start3A_191[%dma_start3A_192] : memref<100096xf32, #tpu.memory_space<hbm>> -> memref<100096xf32, #tpu.memory_space<hbm>>
    tpu.enqueue_indirect_dma source(%dma_start3A_193 : memref<100096xf32, #tpu.memory_space<hbm>>) target(%dma_start3A_186 : memref<512xf32, #tpu.memory_space<vmem>>) offsets(%dma_start3A_188 : memref<512xi32, #tpu.memory_space<vmem>>) semaphore(%arg7 : memref<!tpu.dma_semaphore, #tpu.memory_space<semaphore_mem>>)
    %dma_start3A_194 = arith.constant 16 : i32
    %dma_start3A_195 = arith.constant 16 : i32
    %dma_start3A_196 = arith.constant 0 : i32
    %dma_start3A_197 = tpu.memref_slice %arg6[%dma_start3A_195, %dma_start3A_196] : memref<32x512xf32, #tpu.memory_space<vmem>> -> memref<1x512xf32, #tpu.memory_space<vmem>>
    %dma_start3A_198 = tpu.memref_squeeze %dma_start3A_197 : memref<1x512xf32, #tpu.memory_space<vmem>> -> memref<512xf32, #tpu.memory_space<vmem>>
    %dma_start3A_199 = arith.constant 0 : i32
    %dma_start3A_200 = tpu.memref_slice %arg5[%dma_start3A_199] : memref<512xi32, #tpu.memory_space<vmem>> -> memref<512xi32, #tpu.memory_space<vmem>>
    %dma_start3A_201 = arith.constant 0 : i32
    %dma_start3A_202 = tpu.memref_slice %arg3[%dma_start3A_194, %dma_start3A_201] : memref<32x100096xf32, #tpu.memory_space<hbm>> -> memref<1x100096xf32, #tpu.memory_space<hbm>>
    %dma_start3A_203 = tpu.memref_squeeze %dma_start3A_202 : memref<1x100096xf32, #tpu.memory_space<hbm>> -> memref<100096xf32, #tpu.memory_space<hbm>>
    %dma_start3A_204 = arith.constant 0 : i32
    %dma_start3A_205 = tpu.memref_slice %dma_start3A_203[%dma_start3A_204] : memref<100096xf32, #tpu.memory_space<hbm>> -> memref<100096xf32, #tpu.memory_space<hbm>>
    tpu.enqueue_indirect_dma source(%dma_start3A_205 : memref<100096xf32, #tpu.memory_space<hbm>>) target(%dma_start3A_198 : memref<512xf32, #tpu.memory_space<vmem>>) offsets(%dma_start3A_200 : memref<512xi32, #tpu.memory_space<vmem>>) semaphore(%arg7 : memref<!tpu.dma_semaphore, #tpu.memory_space<semaphore_mem>>)
    %dma_start3A_206 = arith.constant 17 : i32
    %dma_start3A_207 = arith.constant 17 : i32
    %dma_start3A_208 = arith.constant 0 : i32
    %dma_start3A_209 = tpu.memref_slice %arg6[%dma_start3A_207, %dma_start3A_208] : memref<32x512xf32, #tpu.memory_space<vmem>> -> memref<1x512xf32, #tpu.memory_space<vmem>>
    %dma_start3A_210 = tpu.memref_squeeze %dma_start3A_209 : memref<1x512xf32, #tpu.memory_space<vmem>> -> memref<512xf32, #tpu.memory_space<vmem>>
    %dma_start3A_211 = arith.constant 0 : i32
    %dma_start3A_212 = tpu.memref_slice %arg5[%dma_start3A_211] : memref<512xi32, #tpu.memory_space<vmem>> -> memref<512xi32, #tpu.memory_space<vmem>>
    %dma_start3A_213 = arith.constant 0 : i32
    %dma_start3A_214 = tpu.memref_slice %arg3[%dma_start3A_206, %dma_start3A_213] : memref<32x100096xf32, #tpu.memory_space<hbm>> -> memref<1x100096xf32, #tpu.memory_space<hbm>>
    %dma_start3A_215 = tpu.memref_squeeze %dma_start3A_214 : memref<1x100096xf32, #tpu.memory_space<hbm>> -> memref<100096xf32, #tpu.memory_space<hbm>>
    %dma_start3A_216 = arith.constant 0 : i32
    %dma_start3A_217 = tpu.memref_slice %dma_start3A_215[%dma_start3A_216] : memref<100096xf32, #tpu.memory_space<hbm>> -> memref<100096xf32, #tpu.memory_space<hbm>>
    tpu.enqueue_indirect_dma source(%dma_start3A_217 : memref<100096xf32, #tpu.memory_space<hbm>>) target(%dma_start3A_210 : memref<512xf32, #tpu.memory_space<vmem>>) offsets(%dma_start3A_212 : memref<512xi32, #tpu.memory_space<vmem>>) semaphore(%arg7 : memref<!tpu.dma_semaphore, #tpu.memory_space<semaphore_mem>>)
    %dma_start3A_218 = arith.constant 18 : i32
    %dma_start3A_219 = arith.constant 18 : i32
    %dma_start3A_220 = arith.constant 0 : i32
    %dma_start3A_221 = tpu.memref_slice %arg6[%dma_start3A_219, %dma_start3A_220] : memref<32x512xf32, #tpu.memory_space<vmem>> -> memref<1x512xf32, #tpu.memory_space<vmem>>
    %dma_start3A_222 = tpu.memref_squeeze %dma_start3A_221 : memref<1x512xf32, #tpu.memory_space<vmem>> -> memref<512xf32, #tpu.memory_space<vmem>>
    %dma_start3A_223 = arith.constant 0 : i32
    %dma_start3A_224 = tpu.memref_slice %arg5[%dma_start3A_223] : memref<512xi32, #tpu.memory_space<vmem>> -> memref<512xi32, #tpu.memory_space<vmem>>
    %dma_start3A_225 = arith.constant 0 : i32
    %dma_start3A_226 = tpu.memref_slice %arg3[%dma_start3A_218, %dma_start3A_225] : memref<32x100096xf32, #tpu.memory_space<hbm>> -> memref<1x100096xf32, #tpu.memory_space<hbm>>
    %dma_start3A_227 = tpu.memref_squeeze %dma_start3A_226 : memref<1x100096xf32, #tpu.memory_space<hbm>> -> memref<100096xf32, #tpu.memory_space<hbm>>
    %dma_start3A_228 = arith.constant 0 : i32
    %dma_start3A_229 = tpu.memref_slice %dma_start3A_227[%dma_start3A_228] : memref<100096xf32, #tpu.memory_space<hbm>> -> memref<100096xf32, #tpu.memory_space<hbm>>
    tpu.enqueue_indirect_dma source(%dma_start3A_229 : memref<100096xf32, #tpu.memory_space<hbm>>) target(%dma_start3A_222 : memref<512xf32, #tpu.memory_space<vmem>>) offsets(%dma_start3A_224 : memref<512xi32, #tpu.memory_space<vmem>>) semaphore(%arg7 : memref<!tpu.dma_semaphore, #tpu.memory_space<semaphore_mem>>)
    %dma_start3A_230 = arith.constant 19 : i32
    %dma_start3A_231 = arith.constant 19 : i32
    %dma_start3A_232 = arith.constant 0 : i32
    %dma_start3A_233 = tpu.memref_slice %arg6[%dma_start3A_231, %dma_start3A_232] : memref<32x512xf32, #tpu.memory_space<vmem>> -> memref<1x512xf32, #tpu.memory_space<vmem>>
    %dma_start3A_234 = tpu.memref_squeeze %dma_start3A_233 : memref<1x512xf32, #tpu.memory_space<vmem>> -> memref<512xf32, #tpu.memory_space<vmem>>
    %dma_start3A_235 = arith.constant 0 : i32
    %dma_start3A_236 = tpu.memref_slice %arg5[%dma_start3A_235] : memref<512xi32, #tpu.memory_space<vmem>> -> memref<512xi32, #tpu.memory_space<vmem>>
    %dma_start3A_237 = arith.constant 0 : i32
    %dma_start3A_238 = tpu.memref_slice %arg3[%dma_start3A_230, %dma_start3A_237] : memref<32x100096xf32, #tpu.memory_space<hbm>> -> memref<1x100096xf32, #tpu.memory_space<hbm>>
    %dma_start3A_239 = tpu.memref_squeeze %dma_start3A_238 : memref<1x100096xf32, #tpu.memory_space<hbm>> -> memref<100096xf32, #tpu.memory_space<hbm>>
    %dma_start3A_240 = arith.constant 0 : i32
    %dma_start3A_241 = tpu.memref_slice %dma_start3A_239[%dma_start3A_240] : memref<100096xf32, #tpu.memory_space<hbm>> -> memref<100096xf32, #tpu.memory_space<hbm>>
    tpu.enqueue_indirect_dma source(%dma_start3A_241 : memref<100096xf32, #tpu.memory_space<hbm>>) target(%dma_start3A_234 : memref<512xf32, #tpu.memory_space<vmem>>) offsets(%dma_start3A_236 : memref<512xi32, #tpu.memory_space<vmem>>) semaphore(%arg7 : memref<!tpu.dma_semaphore, #tpu.memory_space<semaphore_mem>>)
    %dma_start3A_242 = arith.constant 20 : i32
    %dma_start3A_243 = arith.constant 20 : i32
    %dma_start3A_244 = arith.constant 0 : i32
    %dma_start3A_245 = tpu.memref_slice %arg6[%dma_start3A_243, %dma_start3A_244] : memref<32x512xf32, #tpu.memory_space<vmem>> -> memref<1x512xf32, #tpu.memory_space<vmem>>
    %dma_start3A_246 = tpu.memref_squeeze %dma_start3A_245 : memref<1x512xf32, #tpu.memory_space<vmem>> -> memref<512xf32, #tpu.memory_space<vmem>>
    %dma_start3A_247 = arith.constant 0 : i32
    %dma_start3A_248 = tpu.memref_slice %arg5[%dma_start3A_247] : memref<512xi32, #tpu.memory_space<vmem>> -> memref<512xi32, #tpu.memory_space<vmem>>
    %dma_start3A_249 = arith.constant 0 : i32
    %dma_start3A_250 = tpu.memref_slice %arg3[%dma_start3A_242, %dma_start3A_249] : memref<32x100096xf32, #tpu.memory_space<hbm>> -> memref<1x100096xf32, #tpu.memory_space<hbm>>
    %dma_start3A_251 = tpu.memref_squeeze %dma_start3A_250 : memref<1x100096xf32, #tpu.memory_space<hbm>> -> memref<100096xf32, #tpu.memory_space<hbm>>
    %dma_start3A_252 = arith.constant 0 : i32
    %dma_start3A_253 = tpu.memref_slice %dma_start3A_251[%dma_start3A_252] : memref<100096xf32, #tpu.memory_space<hbm>> -> memref<100096xf32, #tpu.memory_space<hbm>>
    tpu.enqueue_indirect_dma source(%dma_start3A_253 : memref<100096xf32, #tpu.memory_space<hbm>>) target(%dma_start3A_246 : memref<512xf32, #tpu.memory_space<vmem>>) offsets(%dma_start3A_248 : memref<512xi32, #tpu.memory_space<vmem>>) semaphore(%arg7 : memref<!tpu.dma_semaphore, #tpu.memory_space<semaphore_mem>>)
    %dma_start3A_254 = arith.constant 21 : i32
    %dma_start3A_255 = arith.constant 21 : i32
    %dma_start3A_256 = arith.constant 0 : i32
    %dma_start3A_257 = tpu.memref_slice %arg6[%dma_start3A_255, %dma_start3A_256] : memref<32x512xf32, #tpu.memory_space<vmem>> -> memref<1x512xf32, #tpu.memory_space<vmem>>
    %dma_start3A_258 = tpu.memref_squeeze %dma_start3A_257 : memref<1x512xf32, #tpu.memory_space<vmem>> -> memref<512xf32, #tpu.memory_space<vmem>>
    %dma_start3A_259 = arith.constant 0 : i32
    %dma_start3A_260 = tpu.memref_slice %arg5[%dma_start3A_259] : memref<512xi32, #tpu.memory_space<vmem>> -> memref<512xi32, #tpu.memory_space<vmem>>
    %dma_start3A_261 = arith.constant 0 : i32
    %dma_start3A_262 = tpu.memref_slice %arg3[%dma_start3A_254, %dma_start3A_261] : memref<32x100096xf32, #tpu.memory_space<hbm>> -> memref<1x100096xf32, #tpu.memory_space<hbm>>
    %dma_start3A_263 = tpu.memref_squeeze %dma_start3A_262 : memref<1x100096xf32, #tpu.memory_space<hbm>> -> memref<100096xf32, #tpu.memory_space<hbm>>
    %dma_start3A_264 = arith.constant 0 : i32
    %dma_start3A_265 = tpu.memref_slice %dma_start3A_263[%dma_start3A_264] : memref<100096xf32, #tpu.memory_space<hbm>> -> memref<100096xf32, #tpu.memory_space<hbm>>
    tpu.enqueue_indirect_dma source(%dma_start3A_265 : memref<100096xf32, #tpu.memory_space<hbm>>) target(%dma_start3A_258 : memref<512xf32, #tpu.memory_space<vmem>>) offsets(%dma_start3A_260 : memref<512xi32, #tpu.memory_space<vmem>>) semaphore(%arg7 : memref<!tpu.dma_semaphore, #tpu.memory_space<semaphore_mem>>)
    %dma_start3A_266 = arith.constant 22 : i32
    %dma_start3A_267 = arith.constant 22 : i32
    %dma_start3A_268 = arith.constant 0 : i32
    %dma_start3A_269 = tpu.memref_slice %arg6[%dma_start3A_267, %dma_start3A_268] : memref<32x512xf32, #tpu.memory_space<vmem>> -> memref<1x512xf32, #tpu.memory_space<vmem>>
    %dma_start3A_270 = tpu.memref_squeeze %dma_start3A_269 : memref<1x512xf32, #tpu.memory_space<vmem>> -> memref<512xf32, #tpu.memory_space<vmem>>
    %dma_start3A_271 = arith.constant 0 : i32
    %dma_start3A_272 = tpu.memref_slice %arg5[%dma_start3A_271] : memref<512xi32, #tpu.memory_space<vmem>> -> memref<512xi32, #tpu.memory_space<vmem>>
    %dma_start3A_273 = arith.constant 0 : i32
    %dma_start3A_274 = tpu.memref_slice %arg3[%dma_start3A_266, %dma_start3A_273] : memref<32x100096xf32, #tpu.memory_space<hbm>> -> memref<1x100096xf32, #tpu.memory_space<hbm>>
    %dma_start3A_275 = tpu.memref_squeeze %dma_start3A_274 : memref<1x100096xf32, #tpu.memory_space<hbm>> -> memref<100096xf32, #tpu.memory_space<hbm>>
    %dma_start3A_276 = arith.constant 0 : i32
    %dma_start3A_277 = tpu.memref_slice %dma_start3A_275[%dma_start3A_276] : memref<100096xf32, #tpu.memory_space<hbm>> -> memref<100096xf32, #tpu.memory_space<hbm>>
    tpu.enqueue_indirect_dma source(%dma_start3A_277 : memref<100096xf32, #tpu.memory_space<hbm>>) target(%dma_start3A_270 : memref<512xf32, #tpu.memory_space<vmem>>) offsets(%dma_start3A_272 : memref<512xi32, #tpu.memory_space<vmem>>) semaphore(%arg7 : memref<!tpu.dma_semaphore, #tpu.memory_space<semaphore_mem>>)
    %dma_start3A_278 = arith.constant 23 : i32
    %dma_start3A_279 = arith.constant 23 : i32
    %dma_start3A_280 = arith.constant 0 : i32
    %dma_start3A_281 = tpu.memref_slice %arg6[%dma_start3A_279, %dma_start3A_280] : memref<32x512xf32, #tpu.memory_space<vmem>> -> memref<1x512xf32, #tpu.memory_space<vmem>>
    %dma_start3A_282 = tpu.memref_squeeze %dma_start3A_281 : memref<1x512xf32, #tpu.memory_space<vmem>> -> memref<512xf32, #tpu.memory_space<vmem>>
    %dma_start3A_283 = arith.constant 0 : i32
    %dma_start3A_284 = tpu.memref_slice %arg5[%dma_start3A_283] : memref<512xi32, #tpu.memory_space<vmem>> -> memref<512xi32, #tpu.memory_space<vmem>>
    %dma_start3A_285 = arith.constant 0 : i32
    %dma_start3A_286 = tpu.memref_slice %arg3[%dma_start3A_278, %dma_start3A_285] : memref<32x100096xf32, #tpu.memory_space<hbm>> -> memref<1x100096xf32, #tpu.memory_space<hbm>>
    %dma_start3A_287 = tpu.memref_squeeze %dma_start3A_286 : memref<1x100096xf32, #tpu.memory_space<hbm>> -> memref<100096xf32, #tpu.memory_space<hbm>>
    %dma_start3A_288 = arith.constant 0 : i32
    %dma_start3A_289 = tpu.memref_slice %dma_start3A_287[%dma_start3A_288] : memref<100096xf32, #tpu.memory_space<hbm>> -> memref<100096xf32, #tpu.memory_space<hbm>>
    tpu.enqueue_indirect_dma source(%dma_start3A_289 : memref<100096xf32, #tpu.memory_space<hbm>>) target(%dma_start3A_282 : memref<512xf32, #tpu.memory_space<vmem>>) offsets(%dma_start3A_284 : memref<512xi32, #tpu.memory_space<vmem>>) semaphore(%arg7 : memref<!tpu.dma_semaphore, #tpu.memory_space<semaphore_mem>>)
    %dma_start3A_290 = arith.constant 24 : i32
    %dma_start3A_291 = arith.constant 24 : i32
    %dma_start3A_292 = arith.constant 0 : i32
    %dma_start3A_293 = tpu.memref_slice %arg6[%dma_start3A_291, %dma_start3A_292] : memref<32x512xf32, #tpu.memory_space<vmem>> -> memref<1x512xf32, #tpu.memory_space<vmem>>
    %dma_start3A_294 = tpu.memref_squeeze %dma_start3A_293 : memref<1x512xf32, #tpu.memory_space<vmem>> -> memref<512xf32, #tpu.memory_space<vmem>>
    %dma_start3A_295 = arith.constant 0 : i32
    %dma_start3A_296 = tpu.memref_slice %arg5[%dma_start3A_295] : memref<512xi32, #tpu.memory_space<vmem>> -> memref<512xi32, #tpu.memory_space<vmem>>
    %dma_start3A_297 = arith.constant 0 : i32
    %dma_start3A_298 = tpu.memref_slice %arg3[%dma_start3A_290, %dma_start3A_297] : memref<32x100096xf32, #tpu.memory_space<hbm>> -> memref<1x100096xf32, #tpu.memory_space<hbm>>
    %dma_start3A_299 = tpu.memref_squeeze %dma_start3A_298 : memref<1x100096xf32, #tpu.memory_space<hbm>> -> memref<100096xf32, #tpu.memory_space<hbm>>
    %dma_start3A_300 = arith.constant 0 : i32
    %dma_start3A_301 = tpu.memref_slice %dma_start3A_299[%dma_start3A_300] : memref<100096xf32, #tpu.memory_space<hbm>> -> memref<100096xf32, #tpu.memory_space<hbm>>
    tpu.enqueue_indirect_dma source(%dma_start3A_301 : memref<100096xf32, #tpu.memory_space<hbm>>) target(%dma_start3A_294 : memref<512xf32, #tpu.memory_space<vmem>>) offsets(%dma_start3A_296 : memref<512xi32, #tpu.memory_space<vmem>>) semaphore(%arg7 : memref<!tpu.dma_semaphore, #tpu.memory_space<semaphore_mem>>)
    %dma_start3A_302 = arith.constant 25 : i32
    %dma_start3A_303 = arith.constant 25 : i32
    %dma_start3A_304 = arith.constant 0 : i32
    %dma_start3A_305 = tpu.memref_slice %arg6[%dma_start3A_303, %dma_start3A_304] : memref<32x512xf32, #tpu.memory_space<vmem>> -> memref<1x512xf32, #tpu.memory_space<vmem>>
    %dma_start3A_306 = tpu.memref_squeeze %dma_start3A_305 : memref<1x512xf32, #tpu.memory_space<vmem>> -> memref<512xf32, #tpu.memory_space<vmem>>
    %dma_start3A_307 = arith.constant 0 : i32
    %dma_start3A_308 = tpu.memref_slice %arg5[%dma_start3A_307] : memref<512xi32, #tpu.memory_space<vmem>> -> memref<512xi32, #tpu.memory_space<vmem>>
    %dma_start3A_309 = arith.constant 0 : i32
    %dma_start3A_310 = tpu.memref_slice %arg3[%dma_start3A_302, %dma_start3A_309] : memref<32x100096xf32, #tpu.memory_space<hbm>> -> memref<1x100096xf32, #tpu.memory_space<hbm>>
    %dma_start3A_311 = tpu.memref_squeeze %dma_start3A_310 : memref<1x100096xf32, #tpu.memory_space<hbm>> -> memref<100096xf32, #tpu.memory_space<hbm>>
    %dma_start3A_312 = arith.constant 0 : i32
    %dma_start3A_313 = tpu.memref_slice %dma_start3A_311[%dma_start3A_312] : memref<100096xf32, #tpu.memory_space<hbm>> -> memref<100096xf32, #tpu.memory_space<hbm>>
    tpu.enqueue_indirect_dma source(%dma_start3A_313 : memref<100096xf32, #tpu.memory_space<hbm>>) target(%dma_start3A_306 : memref<512xf32, #tpu.memory_space<vmem>>) offsets(%dma_start3A_308 : memref<512xi32, #tpu.memory_space<vmem>>) semaphore(%arg7 : memref<!tpu.dma_semaphore, #tpu.memory_space<semaphore_mem>>)
    %dma_start3A_314 = arith.constant 26 : i32
    %dma_start3A_315 = arith.constant 26 : i32
    %dma_start3A_316 = arith.constant 0 : i32
    %dma_start3A_317 = tpu.memref_slice %arg6[%dma_start3A_315, %dma_start3A_316] : memref<32x512xf32, #tpu.memory_space<vmem>> -> memref<1x512xf32, #tpu.memory_space<vmem>>
    %dma_start3A_318 = tpu.memref_squeeze %dma_start3A_317 : memref<1x512xf32, #tpu.memory_space<vmem>> -> memref<512xf32, #tpu.memory_space<vmem>>
    %dma_start3A_319 = arith.constant 0 : i32
    %dma_start3A_320 = tpu.memref_slice %arg5[%dma_start3A_319] : memref<512xi32, #tpu.memory_space<vmem>> -> memref<512xi32, #tpu.memory_space<vmem>>
    %dma_start3A_321 = arith.constant 0 : i32
    %dma_start3A_322 = tpu.memref_slice %arg3[%dma_start3A_314, %dma_start3A_321] : memref<32x100096xf32, #tpu.memory_space<hbm>> -> memref<1x100096xf32, #tpu.memory_space<hbm>>
    %dma_start3A_323 = tpu.memref_squeeze %dma_start3A_322 : memref<1x100096xf32, #tpu.memory_space<hbm>> -> memref<100096xf32, #tpu.memory_space<hbm>>
    %dma_start3A_324 = arith.constant 0 : i32
    %dma_start3A_325 = tpu.memref_slice %dma_start3A_323[%dma_start3A_324] : memref<100096xf32, #tpu.memory_space<hbm>> -> memref<100096xf32, #tpu.memory_space<hbm>>
    tpu.enqueue_indirect_dma source(%dma_start3A_325 : memref<100096xf32, #tpu.memory_space<hbm>>) target(%dma_start3A_318 : memref<512xf32, #tpu.memory_space<vmem>>) offsets(%dma_start3A_320 : memref<512xi32, #tpu.memory_space<vmem>>) semaphore(%arg7 : memref<!tpu.dma_semaphore, #tpu.memory_space<semaphore_mem>>)
    %dma_start3A_326 = arith.constant 27 : i32
    %dma_start3A_327 = arith.constant 27 : i32
    %dma_start3A_328 = arith.constant 0 : i32
    %dma_start3A_329 = tpu.memref_slice %arg6[%dma_start3A_327, %dma_start3A_328] : memref<32x512xf32, #tpu.memory_space<vmem>> -> memref<1x512xf32, #tpu.memory_space<vmem>>
    %dma_start3A_330 = tpu.memref_squeeze %dma_start3A_329 : memref<1x512xf32, #tpu.memory_space<vmem>> -> memref<512xf32, #tpu.memory_space<vmem>>
    %dma_start3A_331 = arith.constant 0 : i32
    %dma_start3A_332 = tpu.memref_slice %arg5[%dma_start3A_331] : memref<512xi32, #tpu.memory_space<vmem>> -> memref<512xi32, #tpu.memory_space<vmem>>
    %dma_start3A_333 = arith.constant 0 : i32
    %dma_start3A_334 = tpu.memref_slice %arg3[%dma_start3A_326, %dma_start3A_333] : memref<32x100096xf32, #tpu.memory_space<hbm>> -> memref<1x100096xf32, #tpu.memory_space<hbm>>
    %dma_start3A_335 = tpu.memref_squeeze %dma_start3A_334 : memref<1x100096xf32, #tpu.memory_space<hbm>> -> memref<100096xf32, #tpu.memory_space<hbm>>
    %dma_start3A_336 = arith.constant 0 : i32
    %dma_start3A_337 = tpu.memref_slice %dma_start3A_335[%dma_start3A_336] : memref<100096xf32, #tpu.memory_space<hbm>> -> memref<100096xf32, #tpu.memory_space<hbm>>
    tpu.enqueue_indirect_dma source(%dma_start3A_337 : memref<100096xf32, #tpu.memory_space<hbm>>) target(%dma_start3A_330 : memref<512xf32, #tpu.memory_space<vmem>>) offsets(%dma_start3A_332 : memref<512xi32, #tpu.memory_space<vmem>>) semaphore(%arg7 : memref<!tpu.dma_semaphore, #tpu.memory_space<semaphore_mem>>)
    %dma_start3A_338 = arith.constant 28 : i32
    %dma_start3A_339 = arith.constant 28 : i32
    %dma_start3A_340 = arith.constant 0 : i32
    %dma_start3A_341 = tpu.memref_slice %arg6[%dma_start3A_339, %dma_start3A_340] : memref<32x512xf32, #tpu.memory_space<vmem>> -> memref<1x512xf32, #tpu.memory_space<vmem>>
    %dma_start3A_342 = tpu.memref_squeeze %dma_start3A_341 : memref<1x512xf32, #tpu.memory_space<vmem>> -> memref<512xf32, #tpu.memory_space<vmem>>
    %dma_start3A_343 = arith.constant 0 : i32
    %dma_start3A_344 = tpu.memref_slice %arg5[%dma_start3A_343] : memref<512xi32, #tpu.memory_space<vmem>> -> memref<512xi32, #tpu.memory_space<vmem>>
    %dma_start3A_345 = arith.constant 0 : i32
    %dma_start3A_346 = tpu.memref_slice %arg3[%dma_start3A_338, %dma_start3A_345] : memref<32x100096xf32, #tpu.memory_space<hbm>> -> memref<1x100096xf32, #tpu.memory_space<hbm>>
    %dma_start3A_347 = tpu.memref_squeeze %dma_start3A_346 : memref<1x100096xf32, #tpu.memory_space<hbm>> -> memref<100096xf32, #tpu.memory_space<hbm>>
    %dma_start3A_348 = arith.constant 0 : i32
    %dma_start3A_349 = tpu.memref_slice %dma_start3A_347[%dma_start3A_348] : memref<100096xf32, #tpu.memory_space<hbm>> -> memref<100096xf32, #tpu.memory_space<hbm>>
    tpu.enqueue_indirect_dma source(%dma_start3A_349 : memref<100096xf32, #tpu.memory_space<hbm>>) target(%dma_start3A_342 : memref<512xf32, #tpu.memory_space<vmem>>) offsets(%dma_start3A_344 : memref<512xi32, #tpu.memory_space<vmem>>) semaphore(%arg7 : memref<!tpu.dma_semaphore, #tpu.memory_space<semaphore_mem>>)
    %dma_start3A_350 = arith.constant 29 : i32
    %dma_start3A_351 = arith.constant 29 : i32
    %dma_start3A_352 = arith.constant 0 : i32
    %dma_start3A_353 = tpu.memref_slice %arg6[%dma_start3A_351, %dma_start3A_352] : memref<32x512xf32, #tpu.memory_space<vmem>> -> memref<1x512xf32, #tpu.memory_space<vmem>>
    %dma_start3A_354 = tpu.memref_squeeze %dma_start3A_353 : memref<1x512xf32, #tpu.memory_space<vmem>> -> memref<512xf32, #tpu.memory_space<vmem>>
    %dma_start3A_355 = arith.constant 0 : i32
    %dma_start3A_356 = tpu.memref_slice %arg5[%dma_start3A_355] : memref<512xi32, #tpu.memory_space<vmem>> -> memref<512xi32, #tpu.memory_space<vmem>>
    %dma_start3A_357 = arith.constant 0 : i32
    %dma_start3A_358 = tpu.memref_slice %arg3[%dma_start3A_350, %dma_start3A_357] : memref<32x100096xf32, #tpu.memory_space<hbm>> -> memref<1x100096xf32, #tpu.memory_space<hbm>>
    %dma_start3A_359 = tpu.memref_squeeze %dma_start3A_358 : memref<1x100096xf32, #tpu.memory_space<hbm>> -> memref<100096xf32, #tpu.memory_space<hbm>>
    %dma_start3A_360 = arith.constant 0 : i32
    %dma_start3A_361 = tpu.memref_slice %dma_start3A_359[%dma_start3A_360] : memref<100096xf32, #tpu.memory_space<hbm>> -> memref<100096xf32, #tpu.memory_space<hbm>>
    tpu.enqueue_indirect_dma source(%dma_start3A_361 : memref<100096xf32, #tpu.memory_space<hbm>>) target(%dma_start3A_354 : memref<512xf32, #tpu.memory_space<vmem>>) offsets(%dma_start3A_356 : memref<512xi32, #tpu.memory_space<vmem>>) semaphore(%arg7 : memref<!tpu.dma_semaphore, #tpu.memory_space<semaphore_mem>>)
    %dma_start3A_362 = arith.constant 30 : i32
    %dma_start3A_363 = arith.constant 30 : i32
    %dma_start3A_364 = arith.constant 0 : i32
    %dma_start3A_365 = tpu.memref_slice %arg6[%dma_start3A_363, %dma_start3A_364] : memref<32x512xf32, #tpu.memory_space<vmem>> -> memref<1x512xf32, #tpu.memory_space<vmem>>
    %dma_start3A_366 = tpu.memref_squeeze %dma_start3A_365 : memref<1x512xf32, #tpu.memory_space<vmem>> -> memref<512xf32, #tpu.memory_space<vmem>>
    %dma_start3A_367 = arith.constant 0 : i32
    %dma_start3A_368 = tpu.memref_slice %arg5[%dma_start3A_367] : memref<512xi32, #tpu.memory_space<vmem>> -> memref<512xi32, #tpu.memory_space<vmem>>
    %dma_start3A_369 = arith.constant 0 : i32
    %dma_start3A_370 = tpu.memref_slice %arg3[%dma_start3A_362, %dma_start3A_369] : memref<32x100096xf32, #tpu.memory_space<hbm>> -> memref<1x100096xf32, #tpu.memory_space<hbm>>
    %dma_start3A_371 = tpu.memref_squeeze %dma_start3A_370 : memref<1x100096xf32, #tpu.memory_space<hbm>> -> memref<100096xf32, #tpu.memory_space<hbm>>
    %dma_start3A_372 = arith.constant 0 : i32
    %dma_start3A_373 = tpu.memref_slice %dma_start3A_371[%dma_start3A_372] : memref<100096xf32, #tpu.memory_space<hbm>> -> memref<100096xf32, #tpu.memory_space<hbm>>
    tpu.enqueue_indirect_dma source(%dma_start3A_373 : memref<100096xf32, #tpu.memory_space<hbm>>) target(%dma_start3A_366 : memref<512xf32, #tpu.memory_space<vmem>>) offsets(%dma_start3A_368 : memref<512xi32, #tpu.memory_space<vmem>>) semaphore(%arg7 : memref<!tpu.dma_semaphore, #tpu.memory_space<semaphore_mem>>)
    %dma_start3A_374 = arith.constant 31 : i32
    %dma_start3A_375 = arith.constant 31 : i32
    %dma_start3A_376 = arith.constant 0 : i32
    %dma_start3A_377 = tpu.memref_slice %arg6[%dma_start3A_375, %dma_start3A_376] : memref<32x512xf32, #tpu.memory_space<vmem>> -> memref<1x512xf32, #tpu.memory_space<vmem>>
    %dma_start3A_378 = tpu.memref_squeeze %dma_start3A_377 : memref<1x512xf32, #tpu.memory_space<vmem>> -> memref<512xf32, #tpu.memory_space<vmem>>
    %dma_start3A_379 = arith.constant 0 : i32
    %dma_start3A_380 = tpu.memref_slice %arg5[%dma_start3A_379] : memref<512xi32, #tpu.memory_space<vmem>> -> memref<512xi32, #tpu.memory_space<vmem>>
    %dma_start3A_381 = arith.constant 0 : i32
    %dma_start3A_382 = tpu.memref_slice %arg3[%dma_start3A_374, %dma_start3A_381] : memref<32x100096xf32, #tpu.memory_space<hbm>> -> memref<1x100096xf32, #tpu.memory_space<hbm>>
    %dma_start3A_383 = tpu.memref_squeeze %dma_start3A_382 : memref<1x100096xf32, #tpu.memory_space<hbm>> -> memref<100096xf32, #tpu.memory_space<hbm>>
    %dma_start3A_384 = arith.constant 0 : i32
    %dma_start3A_385 = tpu.memref_slice %dma_start3A_383[%dma_start3A_384] : memref<100096xf32, #tpu.memory_space<hbm>> -> memref<100096xf32, #tpu.memory_space<hbm>>
    tpu.enqueue_indirect_dma source(%dma_start3A_385 : memref<100096xf32, #tpu.memory_space<hbm>>) target(%dma_start3A_378 : memref<512xf32, #tpu.memory_space<vmem>>) offsets(%dma_start3A_380 : memref<512xi32, #tpu.memory_space<vmem>>) semaphore(%arg7 : memref<!tpu.dma_semaphore, #tpu.memory_space<semaphore_mem>>)
    %dma_wait3A = arith.constant 0 : i32
    %dma_wait3A_386 = arith.constant 0 : i32
    %dma_wait3A_387 = arith.constant 0 : i32
    %dma_wait3A_388 = tpu.memref_slice %arg6[%dma_wait3A_386, %dma_wait3A_387] : memref<32x512xf32, #tpu.memory_space<vmem>> -> memref<1x512xf32, #tpu.memory_space<vmem>>
    %dma_wait3A_389 = tpu.memref_squeeze %dma_wait3A_388 : memref<1x512xf32, #tpu.memory_space<vmem>> -> memref<512xf32, #tpu.memory_space<vmem>>
    %dma_wait3A_390 = arith.constant 0 : i32
    %dma_wait3A_391 = tpu.memref_slice %arg5[%dma_wait3A_390] : memref<512xi32, #tpu.memory_space<vmem>> -> memref<512xi32, #tpu.memory_space<vmem>>
    %dma_wait3A_392 = arith.constant 0 : i32
    %dma_wait3A_393 = tpu.memref_slice %arg3[%dma_wait3A, %dma_wait3A_392] : memref<32x100096xf32, #tpu.memory_space<hbm>> -> memref<1x100096xf32, #tpu.memory_space<hbm>>
    %dma_wait3A_394 = tpu.memref_squeeze %dma_wait3A_393 : memref<1x100096xf32, #tpu.memory_space<hbm>> -> memref<100096xf32, #tpu.memory_space<hbm>>
    %dma_wait3A_395 = arith.constant 0 : i32
    %dma_wait3A_396 = tpu.memref_slice %dma_wait3A_394[%dma_wait3A_395] : memref<100096xf32, #tpu.memory_space<hbm>> -> memref<100096xf32, #tpu.memory_space<hbm>>
    tpu.wait_indirect_dma semaphore(%arg7 : memref<!tpu.dma_semaphore, #tpu.memory_space<semaphore_mem>>) src(%dma_wait3A_396 : memref<100096xf32, #tpu.memory_space<hbm>>) dst(%dma_wait3A_389 : memref<512xf32, #tpu.memory_space<vmem>>)
    %dma_wait3A_397 = arith.constant 1 : i32
    %dma_wait3A_398 = arith.constant 1 : i32
    %dma_wait3A_399 = arith.constant 0 : i32
    %dma_wait3A_400 = tpu.memref_slice %arg6[%dma_wait3A_398, %dma_wait3A_399] : memref<32x512xf32, #tpu.memory_space<vmem>> -> memref<1x512xf32, #tpu.memory_space<vmem>>
    %dma_wait3A_401 = tpu.memref_squeeze %dma_wait3A_400 : memref<1x512xf32, #tpu.memory_space<vmem>> -> memref<512xf32, #tpu.memory_space<vmem>>
    %dma_wait3A_402 = arith.constant 0 : i32
    %dma_wait3A_403 = tpu.memref_slice %arg5[%dma_wait3A_402] : memref<512xi32, #tpu.memory_space<vmem>> -> memref<512xi32, #tpu.memory_space<vmem>>
    %dma_wait3A_404 = arith.constant 0 : i32
    %dma_wait3A_405 = tpu.memref_slice %arg3[%dma_wait3A_397, %dma_wait3A_404] : memref<32x100096xf32, #tpu.memory_space<hbm>> -> memref<1x100096xf32, #tpu.memory_space<hbm>>
    %dma_wait3A_406 = tpu.memref_squeeze %dma_wait3A_405 : memref<1x100096xf32, #tpu.memory_space<hbm>> -> memref<100096xf32, #tpu.memory_space<hbm>>
    %dma_wait3A_407 = arith.constant 0 : i32
    %dma_wait3A_408 = tpu.memref_slice %dma_wait3A_406[%dma_wait3A_407] : memref<100096xf32, #tpu.memory_space<hbm>> -> memref<100096xf32, #tpu.memory_space<hbm>>
    tpu.wait_indirect_dma semaphore(%arg7 : memref<!tpu.dma_semaphore, #tpu.memory_space<semaphore_mem>>) src(%dma_wait3A_408 : memref<100096xf32, #tpu.memory_space<hbm>>) dst(%dma_wait3A_401 : memref<512xf32, #tpu.memory_space<vmem>>)
    %dma_wait3A_409 = arith.constant 2 : i32
    %dma_wait3A_410 = arith.constant 2 : i32
    %dma_wait3A_411 = arith.constant 0 : i32
    %dma_wait3A_412 = tpu.memref_slice %arg6[%dma_wait3A_410, %dma_wait3A_411] : memref<32x512xf32, #tpu.memory_space<vmem>> -> memref<1x512xf32, #tpu.memory_space<vmem>>
    %dma_wait3A_413 = tpu.memref_squeeze %dma_wait3A_412 : memref<1x512xf32, #tpu.memory_space<vmem>> -> memref<512xf32, #tpu.memory_space<vmem>>
    %dma_wait3A_414 = arith.constant 0 : i32
    %dma_wait3A_415 = tpu.memref_slice %arg5[%dma_wait3A_414] : memref<512xi32, #tpu.memory_space<vmem>> -> memref<512xi32, #tpu.memory_space<vmem>>
    %dma_wait3A_416 = arith.constant 0 : i32
    %dma_wait3A_417 = tpu.memref_slice %arg3[%dma_wait3A_409, %dma_wait3A_416] : memref<32x100096xf32, #tpu.memory_space<hbm>> -> memref<1x100096xf32, #tpu.memory_space<hbm>>
    %dma_wait3A_418 = tpu.memref_squeeze %dma_wait3A_417 : memref<1x100096xf32, #tpu.memory_space<hbm>> -> memref<100096xf32, #tpu.memory_space<hbm>>
    %dma_wait3A_419 = arith.constant 0 : i32
    %dma_wait3A_420 = tpu.memref_slice %dma_wait3A_418[%dma_wait3A_419] : memref<100096xf32, #tpu.memory_space<hbm>> -> memref<100096xf32, #tpu.memory_space<hbm>>
    tpu.wait_indirect_dma semaphore(%arg7 : memref<!tpu.dma_semaphore, #tpu.memory_space<semaphore_mem>>) src(%dma_wait3A_420 : memref<100096xf32, #tpu.memory_space<hbm>>) dst(%dma_wait3A_413 : memref<512xf32, #tpu.memory_space<vmem>>)
    %dma_wait3A_421 = arith.constant 3 : i32
    %dma_wait3A_422 = arith.constant 3 : i32
    %dma_wait3A_423 = arith.constant 0 : i32
    %dma_wait3A_424 = tpu.memref_slice %arg6[%dma_wait3A_422, %dma_wait3A_423] : memref<32x512xf32, #tpu.memory_space<vmem>> -> memref<1x512xf32, #tpu.memory_space<vmem>>
    %dma_wait3A_425 = tpu.memref_squeeze %dma_wait3A_424 : memref<1x512xf32, #tpu.memory_space<vmem>> -> memref<512xf32, #tpu.memory_space<vmem>>
    %dma_wait3A_426 = arith.constant 0 : i32
    %dma_wait3A_427 = tpu.memref_slice %arg5[%dma_wait3A_426] : memref<512xi32, #tpu.memory_space<vmem>> -> memref<512xi32, #tpu.memory_space<vmem>>
    %dma_wait3A_428 = arith.constant 0 : i32
    %dma_wait3A_429 = tpu.memref_slice %arg3[%dma_wait3A_421, %dma_wait3A_428] : memref<32x100096xf32, #tpu.memory_space<hbm>> -> memref<1x100096xf32, #tpu.memory_space<hbm>>
    %dma_wait3A_430 = tpu.memref_squeeze %dma_wait3A_429 : memref<1x100096xf32, #tpu.memory_space<hbm>> -> memref<100096xf32, #tpu.memory_space<hbm>>
    %dma_wait3A_431 = arith.constant 0 : i32
    %dma_wait3A_432 = tpu.memref_slice %dma_wait3A_430[%dma_wait3A_431] : memref<100096xf32, #tpu.memory_space<hbm>> -> memref<100096xf32, #tpu.memory_space<hbm>>
    tpu.wait_indirect_dma semaphore(%arg7 : memref<!tpu.dma_semaphore, #tpu.memory_space<semaphore_mem>>) src(%dma_wait3A_432 : memref<100096xf32, #tpu.memory_space<hbm>>) dst(%dma_wait3A_425 : memref<512xf32, #tpu.memory_space<vmem>>)
    %dma_wait3A_433 = arith.constant 4 : i32
    %dma_wait3A_434 = arith.constant 4 : i32
    %dma_wait3A_435 = arith.constant 0 : i32
    %dma_wait3A_436 = tpu.memref_slice %arg6[%dma_wait3A_434, %dma_wait3A_435] : memref<32x512xf32, #tpu.memory_space<vmem>> -> memref<1x512xf32, #tpu.memory_space<vmem>>
    %dma_wait3A_437 = tpu.memref_squeeze %dma_wait3A_436 : memref<1x512xf32, #tpu.memory_space<vmem>> -> memref<512xf32, #tpu.memory_space<vmem>>
    %dma_wait3A_438 = arith.constant 0 : i32
    %dma_wait3A_439 = tpu.memref_slice %arg5[%dma_wait3A_438] : memref<512xi32, #tpu.memory_space<vmem>> -> memref<512xi32, #tpu.memory_space<vmem>>
    %dma_wait3A_440 = arith.constant 0 : i32
    %dma_wait3A_441 = tpu.memref_slice %arg3[%dma_wait3A_433, %dma_wait3A_440] : memref<32x100096xf32, #tpu.memory_space<hbm>> -> memref<1x100096xf32, #tpu.memory_space<hbm>>
    %dma_wait3A_442 = tpu.memref_squeeze %dma_wait3A_441 : memref<1x100096xf32, #tpu.memory_space<hbm>> -> memref<100096xf32, #tpu.memory_space<hbm>>
    %dma_wait3A_443 = arith.constant 0 : i32
    %dma_wait3A_444 = tpu.memref_slice %dma_wait3A_442[%dma_wait3A_443] : memref<100096xf32, #tpu.memory_space<hbm>> -> memref<100096xf32, #tpu.memory_space<hbm>>
    tpu.wait_indirect_dma semaphore(%arg7 : memref<!tpu.dma_semaphore, #tpu.memory_space<semaphore_mem>>) src(%dma_wait3A_444 : memref<100096xf32, #tpu.memory_space<hbm>>) dst(%dma_wait3A_437 : memref<512xf32, #tpu.memory_space<vmem>>)
    %dma_wait3A_445 = arith.constant 5 : i32
    %dma_wait3A_446 = arith.constant 5 : i32
    %dma_wait3A_447 = arith.constant 0 : i32
    %dma_wait3A_448 = tpu.memref_slice %arg6[%dma_wait3A_446, %dma_wait3A_447] : memref<32x512xf32, #tpu.memory_space<vmem>> -> memref<1x512xf32, #tpu.memory_space<vmem>>
    %dma_wait3A_449 = tpu.memref_squeeze %dma_wait3A_448 : memref<1x512xf32, #tpu.memory_space<vmem>> -> memref<512xf32, #tpu.memory_space<vmem>>
    %dma_wait3A_450 = arith.constant 0 : i32
    %dma_wait3A_451 = tpu.memref_slice %arg5[%dma_wait3A_450] : memref<512xi32, #tpu.memory_space<vmem>> -> memref<512xi32, #tpu.memory_space<vmem>>
    %dma_wait3A_452 = arith.constant 0 : i32
    %dma_wait3A_453 = tpu.memref_slice %arg3[%dma_wait3A_445, %dma_wait3A_452] : memref<32x100096xf32, #tpu.memory_space<hbm>> -> memref<1x100096xf32, #tpu.memory_space<hbm>>
    %dma_wait3A_454 = tpu.memref_squeeze %dma_wait3A_453 : memref<1x100096xf32, #tpu.memory_space<hbm>> -> memref<100096xf32, #tpu.memory_space<hbm>>
    %dma_wait3A_455 = arith.constant 0 : i32
    %dma_wait3A_456 = tpu.memref_slice %dma_wait3A_454[%dma_wait3A_455] : memref<100096xf32, #tpu.memory_space<hbm>> -> memref<100096xf32, #tpu.memory_space<hbm>>
    tpu.wait_indirect_dma semaphore(%arg7 : memref<!tpu.dma_semaphore, #tpu.memory_space<semaphore_mem>>) src(%dma_wait3A_456 : memref<100096xf32, #tpu.memory_space<hbm>>) dst(%dma_wait3A_449 : memref<512xf32, #tpu.memory_space<vmem>>)
    %dma_wait3A_457 = arith.constant 6 : i32
    %dma_wait3A_458 = arith.constant 6 : i32
    %dma_wait3A_459 = arith.constant 0 : i32
    %dma_wait3A_460 = tpu.memref_slice %arg6[%dma_wait3A_458, %dma_wait3A_459] : memref<32x512xf32, #tpu.memory_space<vmem>> -> memref<1x512xf32, #tpu.memory_space<vmem>>
    %dma_wait3A_461 = tpu.memref_squeeze %dma_wait3A_460 : memref<1x512xf32, #tpu.memory_space<vmem>> -> memref<512xf32, #tpu.memory_space<vmem>>
    %dma_wait3A_462 = arith.constant 0 : i32
    %dma_wait3A_463 = tpu.memref_slice %arg5[%dma_wait3A_462] : memref<512xi32, #tpu.memory_space<vmem>> -> memref<512xi32, #tpu.memory_space<vmem>>
    %dma_wait3A_464 = arith.constant 0 : i32
    %dma_wait3A_465 = tpu.memref_slice %arg3[%dma_wait3A_457, %dma_wait3A_464] : memref<32x100096xf32, #tpu.memory_space<hbm>> -> memref<1x100096xf32, #tpu.memory_space<hbm>>
    %dma_wait3A_466 = tpu.memref_squeeze %dma_wait3A_465 : memref<1x100096xf32, #tpu.memory_space<hbm>> -> memref<100096xf32, #tpu.memory_space<hbm>>
    %dma_wait3A_467 = arith.constant 0 : i32
    %dma_wait3A_468 = tpu.memref_slice %dma_wait3A_466[%dma_wait3A_467] : memref<100096xf32, #tpu.memory_space<hbm>> -> memref<100096xf32, #tpu.memory_space<hbm>>
    tpu.wait_indirect_dma semaphore(%arg7 : memref<!tpu.dma_semaphore, #tpu.memory_space<semaphore_mem>>) src(%dma_wait3A_468 : memref<100096xf32, #tpu.memory_space<hbm>>) dst(%dma_wait3A_461 : memref<512xf32, #tpu.memory_space<vmem>>)
    %dma_wait3A_469 = arith.constant 7 : i32
    %dma_wait3A_470 = arith.constant 7 : i32
    %dma_wait3A_471 = arith.constant 0 : i32
    %dma_wait3A_472 = tpu.memref_slice %arg6[%dma_wait3A_470, %dma_wait3A_471] : memref<32x512xf32, #tpu.memory_space<vmem>> -> memref<1x512xf32, #tpu.memory_space<vmem>>
    %dma_wait3A_473 = tpu.memref_squeeze %dma_wait3A_472 : memref<1x512xf32, #tpu.memory_space<vmem>> -> memref<512xf32, #tpu.memory_space<vmem>>
    %dma_wait3A_474 = arith.constant 0 : i32
    %dma_wait3A_475 = tpu.memref_slice %arg5[%dma_wait3A_474] : memref<512xi32, #tpu.memory_space<vmem>> -> memref<512xi32, #tpu.memory_space<vmem>>
    %dma_wait3A_476 = arith.constant 0 : i32
    %dma_wait3A_477 = tpu.memref_slice %arg3[%dma_wait3A_469, %dma_wait3A_476] : memref<32x100096xf32, #tpu.memory_space<hbm>> -> memref<1x100096xf32, #tpu.memory_space<hbm>>
    %dma_wait3A_478 = tpu.memref_squeeze %dma_wait3A_477 : memref<1x100096xf32, #tpu.memory_space<hbm>> -> memref<100096xf32, #tpu.memory_space<hbm>>
    %dma_wait3A_479 = arith.constant 0 : i32
    %dma_wait3A_480 = tpu.memref_slice %dma_wait3A_478[%dma_wait3A_479] : memref<100096xf32, #tpu.memory_space<hbm>> -> memref<100096xf32, #tpu.memory_space<hbm>>
    tpu.wait_indirect_dma semaphore(%arg7 : memref<!tpu.dma_semaphore, #tpu.memory_space<semaphore_mem>>) src(%dma_wait3A_480 : memref<100096xf32, #tpu.memory_space<hbm>>) dst(%dma_wait3A_473 : memref<512xf32, #tpu.memory_space<vmem>>)
    %dma_wait3A_481 = arith.constant 8 : i32
    %dma_wait3A_482 = arith.constant 8 : i32
    %dma_wait3A_483 = arith.constant 0 : i32
    %dma_wait3A_484 = tpu.memref_slice %arg6[%dma_wait3A_482, %dma_wait3A_483] : memref<32x512xf32, #tpu.memory_space<vmem>> -> memref<1x512xf32, #tpu.memory_space<vmem>>
    %dma_wait3A_485 = tpu.memref_squeeze %dma_wait3A_484 : memref<1x512xf32, #tpu.memory_space<vmem>> -> memref<512xf32, #tpu.memory_space<vmem>>
    %dma_wait3A_486 = arith.constant 0 : i32
    %dma_wait3A_487 = tpu.memref_slice %arg5[%dma_wait3A_486] : memref<512xi32, #tpu.memory_space<vmem>> -> memref<512xi32, #tpu.memory_space<vmem>>
    %dma_wait3A_488 = arith.constant 0 : i32
    %dma_wait3A_489 = tpu.memref_slice %arg3[%dma_wait3A_481, %dma_wait3A_488] : memref<32x100096xf32, #tpu.memory_space<hbm>> -> memref<1x100096xf32, #tpu.memory_space<hbm>>
    %dma_wait3A_490 = tpu.memref_squeeze %dma_wait3A_489 : memref<1x100096xf32, #tpu.memory_space<hbm>> -> memref<100096xf32, #tpu.memory_space<hbm>>
    %dma_wait3A_491 = arith.constant 0 : i32
    %dma_wait3A_492 = tpu.memref_slice %dma_wait3A_490[%dma_wait3A_491] : memref<100096xf32, #tpu.memory_space<hbm>> -> memref<100096xf32, #tpu.memory_space<hbm>>
    tpu.wait_indirect_dma semaphore(%arg7 : memref<!tpu.dma_semaphore, #tpu.memory_space<semaphore_mem>>) src(%dma_wait3A_492 : memref<100096xf32, #tpu.memory_space<hbm>>) dst(%dma_wait3A_485 : memref<512xf32, #tpu.memory_space<vmem>>)
    %dma_wait3A_493 = arith.constant 9 : i32
    %dma_wait3A_494 = arith.constant 9 : i32
    %dma_wait3A_495 = arith.constant 0 : i32
    %dma_wait3A_496 = tpu.memref_slice %arg6[%dma_wait3A_494, %dma_wait3A_495] : memref<32x512xf32, #tpu.memory_space<vmem>> -> memref<1x512xf32, #tpu.memory_space<vmem>>
    %dma_wait3A_497 = tpu.memref_squeeze %dma_wait3A_496 : memref<1x512xf32, #tpu.memory_space<vmem>> -> memref<512xf32, #tpu.memory_space<vmem>>
    %dma_wait3A_498 = arith.constant 0 : i32
    %dma_wait3A_499 = tpu.memref_slice %arg5[%dma_wait3A_498] : memref<512xi32, #tpu.memory_space<vmem>> -> memref<512xi32, #tpu.memory_space<vmem>>
    %dma_wait3A_500 = arith.constant 0 : i32
    %dma_wait3A_501 = tpu.memref_slice %arg3[%dma_wait3A_493, %dma_wait3A_500] : memref<32x100096xf32, #tpu.memory_space<hbm>> -> memref<1x100096xf32, #tpu.memory_space<hbm>>
    %dma_wait3A_502 = tpu.memref_squeeze %dma_wait3A_501 : memref<1x100096xf32, #tpu.memory_space<hbm>> -> memref<100096xf32, #tpu.memory_space<hbm>>
    %dma_wait3A_503 = arith.constant 0 : i32
    %dma_wait3A_504 = tpu.memref_slice %dma_wait3A_502[%dma_wait3A_503] : memref<100096xf32, #tpu.memory_space<hbm>> -> memref<100096xf32, #tpu.memory_space<hbm>>
    tpu.wait_indirect_dma semaphore(%arg7 : memref<!tpu.dma_semaphore, #tpu.memory_space<semaphore_mem>>) src(%dma_wait3A_504 : memref<100096xf32, #tpu.memory_space<hbm>>) dst(%dma_wait3A_497 : memref<512xf32, #tpu.memory_space<vmem>>)
    %dma_wait3A_505 = arith.constant 10 : i32
    %dma_wait3A_506 = arith.constant 10 : i32
    %dma_wait3A_507 = arith.constant 0 : i32
    %dma_wait3A_508 = tpu.memref_slice %arg6[%dma_wait3A_506, %dma_wait3A_507] : memref<32x512xf32, #tpu.memory_space<vmem>> -> memref<1x512xf32, #tpu.memory_space<vmem>>
    %dma_wait3A_509 = tpu.memref_squeeze %dma_wait3A_508 : memref<1x512xf32, #tpu.memory_space<vmem>> -> memref<512xf32, #tpu.memory_space<vmem>>
    %dma_wait3A_510 = arith.constant 0 : i32
    %dma_wait3A_511 = tpu.memref_slice %arg5[%dma_wait3A_510] : memref<512xi32, #tpu.memory_space<vmem>> -> memref<512xi32, #tpu.memory_space<vmem>>
    %dma_wait3A_512 = arith.constant 0 : i32
    %dma_wait3A_513 = tpu.memref_slice %arg3[%dma_wait3A_505, %dma_wait3A_512] : memref<32x100096xf32, #tpu.memory_space<hbm>> -> memref<1x100096xf32, #tpu.memory_space<hbm>>
    %dma_wait3A_514 = tpu.memref_squeeze %dma_wait3A_513 : memref<1x100096xf32, #tpu.memory_space<hbm>> -> memref<100096xf32, #tpu.memory_space<hbm>>
    %dma_wait3A_515 = arith.constant 0 : i32
    %dma_wait3A_516 = tpu.memref_slice %dma_wait3A_514[%dma_wait3A_515] : memref<100096xf32, #tpu.memory_space<hbm>> -> memref<100096xf32, #tpu.memory_space<hbm>>
    tpu.wait_indirect_dma semaphore(%arg7 : memref<!tpu.dma_semaphore, #tpu.memory_space<semaphore_mem>>) src(%dma_wait3A_516 : memref<100096xf32, #tpu.memory_space<hbm>>) dst(%dma_wait3A_509 : memref<512xf32, #tpu.memory_space<vmem>>)
    %dma_wait3A_517 = arith.constant 11 : i32
    %dma_wait3A_518 = arith.constant 11 : i32
    %dma_wait3A_519 = arith.constant 0 : i32
    %dma_wait3A_520 = tpu.memref_slice %arg6[%dma_wait3A_518, %dma_wait3A_519] : memref<32x512xf32, #tpu.memory_space<vmem>> -> memref<1x512xf32, #tpu.memory_space<vmem>>
    %dma_wait3A_521 = tpu.memref_squeeze %dma_wait3A_520 : memref<1x512xf32, #tpu.memory_space<vmem>> -> memref<512xf32, #tpu.memory_space<vmem>>
    %dma_wait3A_522 = arith.constant 0 : i32
    %dma_wait3A_523 = tpu.memref_slice %arg5[%dma_wait3A_522] : memref<512xi32, #tpu.memory_space<vmem>> -> memref<512xi32, #tpu.memory_space<vmem>>
    %dma_wait3A_524 = arith.constant 0 : i32
    %dma_wait3A_525 = tpu.memref_slice %arg3[%dma_wait3A_517, %dma_wait3A_524] : memref<32x100096xf32, #tpu.memory_space<hbm>> -> memref<1x100096xf32, #tpu.memory_space<hbm>>
    %dma_wait3A_526 = tpu.memref_squeeze %dma_wait3A_525 : memref<1x100096xf32, #tpu.memory_space<hbm>> -> memref<100096xf32, #tpu.memory_space<hbm>>
    %dma_wait3A_527 = arith.constant 0 : i32
    %dma_wait3A_528 = tpu.memref_slice %dma_wait3A_526[%dma_wait3A_527] : memref<100096xf32, #tpu.memory_space<hbm>> -> memref<100096xf32, #tpu.memory_space<hbm>>
    tpu.wait_indirect_dma semaphore(%arg7 : memref<!tpu.dma_semaphore, #tpu.memory_space<semaphore_mem>>) src(%dma_wait3A_528 : memref<100096xf32, #tpu.memory_space<hbm>>) dst(%dma_wait3A_521 : memref<512xf32, #tpu.memory_space<vmem>>)
    %dma_wait3A_529 = arith.constant 12 : i32
    %dma_wait3A_530 = arith.constant 12 : i32
    %dma_wait3A_531 = arith.constant 0 : i32
    %dma_wait3A_532 = tpu.memref_slice %arg6[%dma_wait3A_530, %dma_wait3A_531] : memref<32x512xf32, #tpu.memory_space<vmem>> -> memref<1x512xf32, #tpu.memory_space<vmem>>
    %dma_wait3A_533 = tpu.memref_squeeze %dma_wait3A_532 : memref<1x512xf32, #tpu.memory_space<vmem>> -> memref<512xf32, #tpu.memory_space<vmem>>
    %dma_wait3A_534 = arith.constant 0 : i32
    %dma_wait3A_535 = tpu.memref_slice %arg5[%dma_wait3A_534] : memref<512xi32, #tpu.memory_space<vmem>> -> memref<512xi32, #tpu.memory_space<vmem>>
    %dma_wait3A_536 = arith.constant 0 : i32
    %dma_wait3A_537 = tpu.memref_slice %arg3[%dma_wait3A_529, %dma_wait3A_536] : memref<32x100096xf32, #tpu.memory_space<hbm>> -> memref<1x100096xf32, #tpu.memory_space<hbm>>
    %dma_wait3A_538 = tpu.memref_squeeze %dma_wait3A_537 : memref<1x100096xf32, #tpu.memory_space<hbm>> -> memref<100096xf32, #tpu.memory_space<hbm>>
    %dma_wait3A_539 = arith.constant 0 : i32
    %dma_wait3A_540 = tpu.memref_slice %dma_wait3A_538[%dma_wait3A_539] : memref<100096xf32, #tpu.memory_space<hbm>> -> memref<100096xf32, #tpu.memory_space<hbm>>
    tpu.wait_indirect_dma semaphore(%arg7 : memref<!tpu.dma_semaphore, #tpu.memory_space<semaphore_mem>>) src(%dma_wait3A_540 : memref<100096xf32, #tpu.memory_space<hbm>>) dst(%dma_wait3A_533 : memref<512xf32, #tpu.memory_space<vmem>>)
    %dma_wait3A_541 = arith.constant 13 : i32
    %dma_wait3A_542 = arith.constant 13 : i32
    %dma_wait3A_543 = arith.constant 0 : i32
    %dma_wait3A_544 = tpu.memref_slice %arg6[%dma_wait3A_542, %dma_wait3A_543] : memref<32x512xf32, #tpu.memory_space<vmem>> -> memref<1x512xf32, #tpu.memory_space<vmem>>
    %dma_wait3A_545 = tpu.memref_squeeze %dma_wait3A_544 : memref<1x512xf32, #tpu.memory_space<vmem>> -> memref<512xf32, #tpu.memory_space<vmem>>
    %dma_wait3A_546 = arith.constant 0 : i32
    %dma_wait3A_547 = tpu.memref_slice %arg5[%dma_wait3A_546] : memref<512xi32, #tpu.memory_space<vmem>> -> memref<512xi32, #tpu.memory_space<vmem>>
    %dma_wait3A_548 = arith.constant 0 : i32
    %dma_wait3A_549 = tpu.memref_slice %arg3[%dma_wait3A_541, %dma_wait3A_548] : memref<32x100096xf32, #tpu.memory_space<hbm>> -> memref<1x100096xf32, #tpu.memory_space<hbm>>
    %dma_wait3A_550 = tpu.memref_squeeze %dma_wait3A_549 : memref<1x100096xf32, #tpu.memory_space<hbm>> -> memref<100096xf32, #tpu.memory_space<hbm>>
    %dma_wait3A_551 = arith.constant 0 : i32
    %dma_wait3A_552 = tpu.memref_slice %dma_wait3A_550[%dma_wait3A_551] : memref<100096xf32, #tpu.memory_space<hbm>> -> memref<100096xf32, #tpu.memory_space<hbm>>
    tpu.wait_indirect_dma semaphore(%arg7 : memref<!tpu.dma_semaphore, #tpu.memory_space<semaphore_mem>>) src(%dma_wait3A_552 : memref<100096xf32, #tpu.memory_space<hbm>>) dst(%dma_wait3A_545 : memref<512xf32, #tpu.memory_space<vmem>>)
    %dma_wait3A_553 = arith.constant 14 : i32
    %dma_wait3A_554 = arith.constant 14 : i32
    %dma_wait3A_555 = arith.constant 0 : i32
    %dma_wait3A_556 = tpu.memref_slice %arg6[%dma_wait3A_554, %dma_wait3A_555] : memref<32x512xf32, #tpu.memory_space<vmem>> -> memref<1x512xf32, #tpu.memory_space<vmem>>
    %dma_wait3A_557 = tpu.memref_squeeze %dma_wait3A_556 : memref<1x512xf32, #tpu.memory_space<vmem>> -> memref<512xf32, #tpu.memory_space<vmem>>
    %dma_wait3A_558 = arith.constant 0 : i32
    %dma_wait3A_559 = tpu.memref_slice %arg5[%dma_wait3A_558] : memref<512xi32, #tpu.memory_space<vmem>> -> memref<512xi32, #tpu.memory_space<vmem>>
    %dma_wait3A_560 = arith.constant 0 : i32
    %dma_wait3A_561 = tpu.memref_slice %arg3[%dma_wait3A_553, %dma_wait3A_560] : memref<32x100096xf32, #tpu.memory_space<hbm>> -> memref<1x100096xf32, #tpu.memory_space<hbm>>
    %dma_wait3A_562 = tpu.memref_squeeze %dma_wait3A_561 : memref<1x100096xf32, #tpu.memory_space<hbm>> -> memref<100096xf32, #tpu.memory_space<hbm>>
    %dma_wait3A_563 = arith.constant 0 : i32
    %dma_wait3A_564 = tpu.memref_slice %dma_wait3A_562[%dma_wait3A_563] : memref<100096xf32, #tpu.memory_space<hbm>> -> memref<100096xf32, #tpu.memory_space<hbm>>
    tpu.wait_indirect_dma semaphore(%arg7 : memref<!tpu.dma_semaphore, #tpu.memory_space<semaphore_mem>>) src(%dma_wait3A_564 : memref<100096xf32, #tpu.memory_space<hbm>>) dst(%dma_wait3A_557 : memref<512xf32, #tpu.memory_space<vmem>>)
    %dma_wait3A_565 = arith.constant 15 : i32
    %dma_wait3A_566 = arith.constant 15 : i32
    %dma_wait3A_567 = arith.constant 0 : i32
    %dma_wait3A_568 = tpu.memref_slice %arg6[%dma_wait3A_566, %dma_wait3A_567] : memref<32x512xf32, #tpu.memory_space<vmem>> -> memref<1x512xf32, #tpu.memory_space<vmem>>
    %dma_wait3A_569 = tpu.memref_squeeze %dma_wait3A_568 : memref<1x512xf32, #tpu.memory_space<vmem>> -> memref<512xf32, #tpu.memory_space<vmem>>
    %dma_wait3A_570 = arith.constant 0 : i32
    %dma_wait3A_571 = tpu.memref_slice %arg5[%dma_wait3A_570] : memref<512xi32, #tpu.memory_space<vmem>> -> memref<512xi32, #tpu.memory_space<vmem>>
    %dma_wait3A_572 = arith.constant 0 : i32
    %dma_wait3A_573 = tpu.memref_slice %arg3[%dma_wait3A_565, %dma_wait3A_572] : memref<32x100096xf32, #tpu.memory_space<hbm>> -> memref<1x100096xf32, #tpu.memory_space<hbm>>
    %dma_wait3A_574 = tpu.memref_squeeze %dma_wait3A_573 : memref<1x100096xf32, #tpu.memory_space<hbm>> -> memref<100096xf32, #tpu.memory_space<hbm>>
    %dma_wait3A_575 = arith.constant 0 : i32
    %dma_wait3A_576 = tpu.memref_slice %dma_wait3A_574[%dma_wait3A_575] : memref<100096xf32, #tpu.memory_space<hbm>> -> memref<100096xf32, #tpu.memory_space<hbm>>
    tpu.wait_indirect_dma semaphore(%arg7 : memref<!tpu.dma_semaphore, #tpu.memory_space<semaphore_mem>>) src(%dma_wait3A_576 : memref<100096xf32, #tpu.memory_space<hbm>>) dst(%dma_wait3A_569 : memref<512xf32, #tpu.memory_space<vmem>>)
    %dma_wait3A_577 = arith.constant 16 : i32
    %dma_wait3A_578 = arith.constant 16 : i32
    %dma_wait3A_579 = arith.constant 0 : i32
    %dma_wait3A_580 = tpu.memref_slice %arg6[%dma_wait3A_578, %dma_wait3A_579] : memref<32x512xf32, #tpu.memory_space<vmem>> -> memref<1x512xf32, #tpu.memory_space<vmem>>
    %dma_wait3A_581 = tpu.memref_squeeze %dma_wait3A_580 : memref<1x512xf32, #tpu.memory_space<vmem>> -> memref<512xf32, #tpu.memory_space<vmem>>
    %dma_wait3A_582 = arith.constant 0 : i32
    %dma_wait3A_583 = tpu.memref_slice %arg5[%dma_wait3A_582] : memref<512xi32, #tpu.memory_space<vmem>> -> memref<512xi32, #tpu.memory_space<vmem>>
    %dma_wait3A_584 = arith.constant 0 : i32
    %dma_wait3A_585 = tpu.memref_slice %arg3[%dma_wait3A_577, %dma_wait3A_584] : memref<32x100096xf32, #tpu.memory_space<hbm>> -> memref<1x100096xf32, #tpu.memory_space<hbm>>
    %dma_wait3A_586 = tpu.memref_squeeze %dma_wait3A_585 : memref<1x100096xf32, #tpu.memory_space<hbm>> -> memref<100096xf32, #tpu.memory_space<hbm>>
    %dma_wait3A_587 = arith.constant 0 : i32
    %dma_wait3A_588 = tpu.memref_slice %dma_wait3A_586[%dma_wait3A_587] : memref<100096xf32, #tpu.memory_space<hbm>> -> memref<100096xf32, #tpu.memory_space<hbm>>
    tpu.wait_indirect_dma semaphore(%arg7 : memref<!tpu.dma_semaphore, #tpu.memory_space<semaphore_mem>>) src(%dma_wait3A_588 : memref<100096xf32, #tpu.memory_space<hbm>>) dst(%dma_wait3A_581 : memref<512xf32, #tpu.memory_space<vmem>>)
    %dma_wait3A_589 = arith.constant 17 : i32
    %dma_wait3A_590 = arith.constant 17 : i32
    %dma_wait3A_591 = arith.constant 0 : i32
    %dma_wait3A_592 = tpu.memref_slice %arg6[%dma_wait3A_590, %dma_wait3A_591] : memref<32x512xf32, #tpu.memory_space<vmem>> -> memref<1x512xf32, #tpu.memory_space<vmem>>
    %dma_wait3A_593 = tpu.memref_squeeze %dma_wait3A_592 : memref<1x512xf32, #tpu.memory_space<vmem>> -> memref<512xf32, #tpu.memory_space<vmem>>
    %dma_wait3A_594 = arith.constant 0 : i32
    %dma_wait3A_595 = tpu.memref_slice %arg5[%dma_wait3A_594] : memref<512xi32, #tpu.memory_space<vmem>> -> memref<512xi32, #tpu.memory_space<vmem>>
    %dma_wait3A_596 = arith.constant 0 : i32
    %dma_wait3A_597 = tpu.memref_slice %arg3[%dma_wait3A_589, %dma_wait3A_596] : memref<32x100096xf32, #tpu.memory_space<hbm>> -> memref<1x100096xf32, #tpu.memory_space<hbm>>
    %dma_wait3A_598 = tpu.memref_squeeze %dma_wait3A_597 : memref<1x100096xf32, #tpu.memory_space<hbm>> -> memref<100096xf32, #tpu.memory_space<hbm>>
    %dma_wait3A_599 = arith.constant 0 : i32
    %dma_wait3A_600 = tpu.memref_slice %dma_wait3A_598[%dma_wait3A_599] : memref<100096xf32, #tpu.memory_space<hbm>> -> memref<100096xf32, #tpu.memory_space<hbm>>
    tpu.wait_indirect_dma semaphore(%arg7 : memref<!tpu.dma_semaphore, #tpu.memory_space<semaphore_mem>>) src(%dma_wait3A_600 : memref<100096xf32, #tpu.memory_space<hbm>>) dst(%dma_wait3A_593 : memref<512xf32, #tpu.memory_space<vmem>>)
    %dma_wait3A_601 = arith.constant 18 : i32
    %dma_wait3A_602 = arith.constant 18 : i32
    %dma_wait3A_603 = arith.constant 0 : i32
    %dma_wait3A_604 = tpu.memref_slice %arg6[%dma_wait3A_602, %dma_wait3A_603] : memref<32x512xf32, #tpu.memory_space<vmem>> -> memref<1x512xf32, #tpu.memory_space<vmem>>
    %dma_wait3A_605 = tpu.memref_squeeze %dma_wait3A_604 : memref<1x512xf32, #tpu.memory_space<vmem>> -> memref<512xf32, #tpu.memory_space<vmem>>
    %dma_wait3A_606 = arith.constant 0 : i32
    %dma_wait3A_607 = tpu.memref_slice %arg5[%dma_wait3A_606] : memref<512xi32, #tpu.memory_space<vmem>> -> memref<512xi32, #tpu.memory_space<vmem>>
    %dma_wait3A_608 = arith.constant 0 : i32
    %dma_wait3A_609 = tpu.memref_slice %arg3[%dma_wait3A_601, %dma_wait3A_608] : memref<32x100096xf32, #tpu.memory_space<hbm>> -> memref<1x100096xf32, #tpu.memory_space<hbm>>
    %dma_wait3A_610 = tpu.memref_squeeze %dma_wait3A_609 : memref<1x100096xf32, #tpu.memory_space<hbm>> -> memref<100096xf32, #tpu.memory_space<hbm>>
    %dma_wait3A_611 = arith.constant 0 : i32
    %dma_wait3A_612 = tpu.memref_slice %dma_wait3A_610[%dma_wait3A_611] : memref<100096xf32, #tpu.memory_space<hbm>> -> memref<100096xf32, #tpu.memory_space<hbm>>
    tpu.wait_indirect_dma semaphore(%arg7 : memref<!tpu.dma_semaphore, #tpu.memory_space<semaphore_mem>>) src(%dma_wait3A_612 : memref<100096xf32, #tpu.memory_space<hbm>>) dst(%dma_wait3A_605 : memref<512xf32, #tpu.memory_space<vmem>>)
    %dma_wait3A_613 = arith.constant 19 : i32
    %dma_wait3A_614 = arith.constant 19 : i32
    %dma_wait3A_615 = arith.constant 0 : i32
    %dma_wait3A_616 = tpu.memref_slice %arg6[%dma_wait3A_614, %dma_wait3A_615] : memref<32x512xf32, #tpu.memory_space<vmem>> -> memref<1x512xf32, #tpu.memory_space<vmem>>
    %dma_wait3A_617 = tpu.memref_squeeze %dma_wait3A_616 : memref<1x512xf32, #tpu.memory_space<vmem>> -> memref<512xf32, #tpu.memory_space<vmem>>
    %dma_wait3A_618 = arith.constant 0 : i32
    %dma_wait3A_619 = tpu.memref_slice %arg5[%dma_wait3A_618] : memref<512xi32, #tpu.memory_space<vmem>> -> memref<512xi32, #tpu.memory_space<vmem>>
    %dma_wait3A_620 = arith.constant 0 : i32
    %dma_wait3A_621 = tpu.memref_slice %arg3[%dma_wait3A_613, %dma_wait3A_620] : memref<32x100096xf32, #tpu.memory_space<hbm>> -> memref<1x100096xf32, #tpu.memory_space<hbm>>
    %dma_wait3A_622 = tpu.memref_squeeze %dma_wait3A_621 : memref<1x100096xf32, #tpu.memory_space<hbm>> -> memref<100096xf32, #tpu.memory_space<hbm>>
    %dma_wait3A_623 = arith.constant 0 : i32
    %dma_wait3A_624 = tpu.memref_slice %dma_wait3A_622[%dma_wait3A_623] : memref<100096xf32, #tpu.memory_space<hbm>> -> memref<100096xf32, #tpu.memory_space<hbm>>
    tpu.wait_indirect_dma semaphore(%arg7 : memref<!tpu.dma_semaphore, #tpu.memory_space<semaphore_mem>>) src(%dma_wait3A_624 : memref<100096xf32, #tpu.memory_space<hbm>>) dst(%dma_wait3A_617 : memref<512xf32, #tpu.memory_space<vmem>>)
    %dma_wait3A_625 = arith.constant 20 : i32
    %dma_wait3A_626 = arith.constant 20 : i32
    %dma_wait3A_627 = arith.constant 0 : i32
    %dma_wait3A_628 = tpu.memref_slice %arg6[%dma_wait3A_626, %dma_wait3A_627] : memref<32x512xf32, #tpu.memory_space<vmem>> -> memref<1x512xf32, #tpu.memory_space<vmem>>
    %dma_wait3A_629 = tpu.memref_squeeze %dma_wait3A_628 : memref<1x512xf32, #tpu.memory_space<vmem>> -> memref<512xf32, #tpu.memory_space<vmem>>
    %dma_wait3A_630 = arith.constant 0 : i32
    %dma_wait3A_631 = tpu.memref_slice %arg5[%dma_wait3A_630] : memref<512xi32, #tpu.memory_space<vmem>> -> memref<512xi32, #tpu.memory_space<vmem>>
    %dma_wait3A_632 = arith.constant 0 : i32
    %dma_wait3A_633 = tpu.memref_slice %arg3[%dma_wait3A_625, %dma_wait3A_632] : memref<32x100096xf32, #tpu.memory_space<hbm>> -> memref<1x100096xf32, #tpu.memory_space<hbm>>
    %dma_wait3A_634 = tpu.memref_squeeze %dma_wait3A_633 : memref<1x100096xf32, #tpu.memory_space<hbm>> -> memref<100096xf32, #tpu.memory_space<hbm>>
    %dma_wait3A_635 = arith.constant 0 : i32
    %dma_wait3A_636 = tpu.memref_slice %dma_wait3A_634[%dma_wait3A_635] : memref<100096xf32, #tpu.memory_space<hbm>> -> memref<100096xf32, #tpu.memory_space<hbm>>
    tpu.wait_indirect_dma semaphore(%arg7 : memref<!tpu.dma_semaphore, #tpu.memory_space<semaphore_mem>>) src(%dma_wait3A_636 : memref<100096xf32, #tpu.memory_space<hbm>>) dst(%dma_wait3A_629 : memref<512xf32, #tpu.memory_space<vmem>>)
    %dma_wait3A_637 = arith.constant 21 : i32
    %dma_wait3A_638 = arith.constant 21 : i32
    %dma_wait3A_639 = arith.constant 0 : i32
    %dma_wait3A_640 = tpu.memref_slice %arg6[%dma_wait3A_638, %dma_wait3A_639] : memref<32x512xf32, #tpu.memory_space<vmem>> -> memref<1x512xf32, #tpu.memory_space<vmem>>
    %dma_wait3A_641 = tpu.memref_squeeze %dma_wait3A_640 : memref<1x512xf32, #tpu.memory_space<vmem>> -> memref<512xf32, #tpu.memory_space<vmem>>
    %dma_wait3A_642 = arith.constant 0 : i32
    %dma_wait3A_643 = tpu.memref_slice %arg5[%dma_wait3A_642] : memref<512xi32, #tpu.memory_space<vmem>> -> memref<512xi32, #tpu.memory_space<vmem>>
    %dma_wait3A_644 = arith.constant 0 : i32
    %dma_wait3A_645 = tpu.memref_slice %arg3[%dma_wait3A_637, %dma_wait3A_644] : memref<32x100096xf32, #tpu.memory_space<hbm>> -> memref<1x100096xf32, #tpu.memory_space<hbm>>
    %dma_wait3A_646 = tpu.memref_squeeze %dma_wait3A_645 : memref<1x100096xf32, #tpu.memory_space<hbm>> -> memref<100096xf32, #tpu.memory_space<hbm>>
    %dma_wait3A_647 = arith.constant 0 : i32
    %dma_wait3A_648 = tpu.memref_slice %dma_wait3A_646[%dma_wait3A_647] : memref<100096xf32, #tpu.memory_space<hbm>> -> memref<100096xf32, #tpu.memory_space<hbm>>
    tpu.wait_indirect_dma semaphore(%arg7 : memref<!tpu.dma_semaphore, #tpu.memory_space<semaphore_mem>>) src(%dma_wait3A_648 : memref<100096xf32, #tpu.memory_space<hbm>>) dst(%dma_wait3A_641 : memref<512xf32, #tpu.memory_space<vmem>>)
    %dma_wait3A_649 = arith.constant 22 : i32
    %dma_wait3A_650 = arith.constant 22 : i32
    %dma_wait3A_651 = arith.constant 0 : i32
    %dma_wait3A_652 = tpu.memref_slice %arg6[%dma_wait3A_650, %dma_wait3A_651] : memref<32x512xf32, #tpu.memory_space<vmem>> -> memref<1x512xf32, #tpu.memory_space<vmem>>
    %dma_wait3A_653 = tpu.memref_squeeze %dma_wait3A_652 : memref<1x512xf32, #tpu.memory_space<vmem>> -> memref<512xf32, #tpu.memory_space<vmem>>
    %dma_wait3A_654 = arith.constant 0 : i32
    %dma_wait3A_655 = tpu.memref_slice %arg5[%dma_wait3A_654] : memref<512xi32, #tpu.memory_space<vmem>> -> memref<512xi32, #tpu.memory_space<vmem>>
    %dma_wait3A_656 = arith.constant 0 : i32
    %dma_wait3A_657 = tpu.memref_slice %arg3[%dma_wait3A_649, %dma_wait3A_656] : memref<32x100096xf32, #tpu.memory_space<hbm>> -> memref<1x100096xf32, #tpu.memory_space<hbm>>
    %dma_wait3A_658 = tpu.memref_squeeze %dma_wait3A_657 : memref<1x100096xf32, #tpu.memory_space<hbm>> -> memref<100096xf32, #tpu.memory_space<hbm>>
    %dma_wait3A_659 = arith.constant 0 : i32
    %dma_wait3A_660 = tpu.memref_slice %dma_wait3A_658[%dma_wait3A_659] : memref<100096xf32, #tpu.memory_space<hbm>> -> memref<100096xf32, #tpu.memory_space<hbm>>
    tpu.wait_indirect_dma semaphore(%arg7 : memref<!tpu.dma_semaphore, #tpu.memory_space<semaphore_mem>>) src(%dma_wait3A_660 : memref<100096xf32, #tpu.memory_space<hbm>>) dst(%dma_wait3A_653 : memref<512xf32, #tpu.memory_space<vmem>>)
    %dma_wait3A_661 = arith.constant 23 : i32
    %dma_wait3A_662 = arith.constant 23 : i32
    %dma_wait3A_663 = arith.constant 0 : i32
    %dma_wait3A_664 = tpu.memref_slice %arg6[%dma_wait3A_662, %dma_wait3A_663] : memref<32x512xf32, #tpu.memory_space<vmem>> -> memref<1x512xf32, #tpu.memory_space<vmem>>
    %dma_wait3A_665 = tpu.memref_squeeze %dma_wait3A_664 : memref<1x512xf32, #tpu.memory_space<vmem>> -> memref<512xf32, #tpu.memory_space<vmem>>
    %dma_wait3A_666 = arith.constant 0 : i32
    %dma_wait3A_667 = tpu.memref_slice %arg5[%dma_wait3A_666] : memref<512xi32, #tpu.memory_space<vmem>> -> memref<512xi32, #tpu.memory_space<vmem>>
    %dma_wait3A_668 = arith.constant 0 : i32
    %dma_wait3A_669 = tpu.memref_slice %arg3[%dma_wait3A_661, %dma_wait3A_668] : memref<32x100096xf32, #tpu.memory_space<hbm>> -> memref<1x100096xf32, #tpu.memory_space<hbm>>
    %dma_wait3A_670 = tpu.memref_squeeze %dma_wait3A_669 : memref<1x100096xf32, #tpu.memory_space<hbm>> -> memref<100096xf32, #tpu.memory_space<hbm>>
    %dma_wait3A_671 = arith.constant 0 : i32
    %dma_wait3A_672 = tpu.memref_slice %dma_wait3A_670[%dma_wait3A_671] : memref<100096xf32, #tpu.memory_space<hbm>> -> memref<100096xf32, #tpu.memory_space<hbm>>
    tpu.wait_indirect_dma semaphore(%arg7 : memref<!tpu.dma_semaphore, #tpu.memory_space<semaphore_mem>>) src(%dma_wait3A_672 : memref<100096xf32, #tpu.memory_space<hbm>>) dst(%dma_wait3A_665 : memref<512xf32, #tpu.memory_space<vmem>>)
    %dma_wait3A_673 = arith.constant 24 : i32
    %dma_wait3A_674 = arith.constant 24 : i32
    %dma_wait3A_675 = arith.constant 0 : i32
    %dma_wait3A_676 = tpu.memref_slice %arg6[%dma_wait3A_674, %dma_wait3A_675] : memref<32x512xf32, #tpu.memory_space<vmem>> -> memref<1x512xf32, #tpu.memory_space<vmem>>
    %dma_wait3A_677 = tpu.memref_squeeze %dma_wait3A_676 : memref<1x512xf32, #tpu.memory_space<vmem>> -> memref<512xf32, #tpu.memory_space<vmem>>
    %dma_wait3A_678 = arith.constant 0 : i32
    %dma_wait3A_679 = tpu.memref_slice %arg5[%dma_wait3A_678] : memref<512xi32, #tpu.memory_space<vmem>> -> memref<512xi32, #tpu.memory_space<vmem>>
    %dma_wait3A_680 = arith.constant 0 : i32
    %dma_wait3A_681 = tpu.memref_slice %arg3[%dma_wait3A_673, %dma_wait3A_680] : memref<32x100096xf32, #tpu.memory_space<hbm>> -> memref<1x100096xf32, #tpu.memory_space<hbm>>
    %dma_wait3A_682 = tpu.memref_squeeze %dma_wait3A_681 : memref<1x100096xf32, #tpu.memory_space<hbm>> -> memref<100096xf32, #tpu.memory_space<hbm>>
    %dma_wait3A_683 = arith.constant 0 : i32
    %dma_wait3A_684 = tpu.memref_slice %dma_wait3A_682[%dma_wait3A_683] : memref<100096xf32, #tpu.memory_space<hbm>> -> memref<100096xf32, #tpu.memory_space<hbm>>
    tpu.wait_indirect_dma semaphore(%arg7 : memref<!tpu.dma_semaphore, #tpu.memory_space<semaphore_mem>>) src(%dma_wait3A_684 : memref<100096xf32, #tpu.memory_space<hbm>>) dst(%dma_wait3A_677 : memref<512xf32, #tpu.memory_space<vmem>>)
    %dma_wait3A_685 = arith.constant 25 : i32
    %dma_wait3A_686 = arith.constant 25 : i32
    %dma_wait3A_687 = arith.constant 0 : i32
    %dma_wait3A_688 = tpu.memref_slice %arg6[%dma_wait3A_686, %dma_wait3A_687] : memref<32x512xf32, #tpu.memory_space<vmem>> -> memref<1x512xf32, #tpu.memory_space<vmem>>
    %dma_wait3A_689 = tpu.memref_squeeze %dma_wait3A_688 : memref<1x512xf32, #tpu.memory_space<vmem>> -> memref<512xf32, #tpu.memory_space<vmem>>
    %dma_wait3A_690 = arith.constant 0 : i32
    %dma_wait3A_691 = tpu.memref_slice %arg5[%dma_wait3A_690] : memref<512xi32, #tpu.memory_space<vmem>> -> memref<512xi32, #tpu.memory_space<vmem>>
    %dma_wait3A_692 = arith.constant 0 : i32
    %dma_wait3A_693 = tpu.memref_slice %arg3[%dma_wait3A_685, %dma_wait3A_692] : memref<32x100096xf32, #tpu.memory_space<hbm>> -> memref<1x100096xf32, #tpu.memory_space<hbm>>
    %dma_wait3A_694 = tpu.memref_squeeze %dma_wait3A_693 : memref<1x100096xf32, #tpu.memory_space<hbm>> -> memref<100096xf32, #tpu.memory_space<hbm>>
    %dma_wait3A_695 = arith.constant 0 : i32
    %dma_wait3A_696 = tpu.memref_slice %dma_wait3A_694[%dma_wait3A_695] : memref<100096xf32, #tpu.memory_space<hbm>> -> memref<100096xf32, #tpu.memory_space<hbm>>
    tpu.wait_indirect_dma semaphore(%arg7 : memref<!tpu.dma_semaphore, #tpu.memory_space<semaphore_mem>>) src(%dma_wait3A_696 : memref<100096xf32, #tpu.memory_space<hbm>>) dst(%dma_wait3A_689 : memref<512xf32, #tpu.memory_space<vmem>>)
    %dma_wait3A_697 = arith.constant 26 : i32
    %dma_wait3A_698 = arith.constant 26 : i32
    %dma_wait3A_699 = arith.constant 0 : i32
    %dma_wait3A_700 = tpu.memref_slice %arg6[%dma_wait3A_698, %dma_wait3A_699] : memref<32x512xf32, #tpu.memory_space<vmem>> -> memref<1x512xf32, #tpu.memory_space<vmem>>
    %dma_wait3A_701 = tpu.memref_squeeze %dma_wait3A_700 : memref<1x512xf32, #tpu.memory_space<vmem>> -> memref<512xf32, #tpu.memory_space<vmem>>
    %dma_wait3A_702 = arith.constant 0 : i32
    %dma_wait3A_703 = tpu.memref_slice %arg5[%dma_wait3A_702] : memref<512xi32, #tpu.memory_space<vmem>> -> memref<512xi32, #tpu.memory_space<vmem>>
    %dma_wait3A_704 = arith.constant 0 : i32
    %dma_wait3A_705 = tpu.memref_slice %arg3[%dma_wait3A_697, %dma_wait3A_704] : memref<32x100096xf32, #tpu.memory_space<hbm>> -> memref<1x100096xf32, #tpu.memory_space<hbm>>
    %dma_wait3A_706 = tpu.memref_squeeze %dma_wait3A_705 : memref<1x100096xf32, #tpu.memory_space<hbm>> -> memref<100096xf32, #tpu.memory_space<hbm>>
    %dma_wait3A_707 = arith.constant 0 : i32
    %dma_wait3A_708 = tpu.memref_slice %dma_wait3A_706[%dma_wait3A_707] : memref<100096xf32, #tpu.memory_space<hbm>> -> memref<100096xf32, #tpu.memory_space<hbm>>
    tpu.wait_indirect_dma semaphore(%arg7 : memref<!tpu.dma_semaphore, #tpu.memory_space<semaphore_mem>>) src(%dma_wait3A_708 : memref<100096xf32, #tpu.memory_space<hbm>>) dst(%dma_wait3A_701 : memref<512xf32, #tpu.memory_space<vmem>>)
    %dma_wait3A_709 = arith.constant 27 : i32
    %dma_wait3A_710 = arith.constant 27 : i32
    %dma_wait3A_711 = arith.constant 0 : i32
    %dma_wait3A_712 = tpu.memref_slice %arg6[%dma_wait3A_710, %dma_wait3A_711] : memref<32x512xf32, #tpu.memory_space<vmem>> -> memref<1x512xf32, #tpu.memory_space<vmem>>
    %dma_wait3A_713 = tpu.memref_squeeze %dma_wait3A_712 : memref<1x512xf32, #tpu.memory_space<vmem>> -> memref<512xf32, #tpu.memory_space<vmem>>
    %dma_wait3A_714 = arith.constant 0 : i32
    %dma_wait3A_715 = tpu.memref_slice %arg5[%dma_wait3A_714] : memref<512xi32, #tpu.memory_space<vmem>> -> memref<512xi32, #tpu.memory_space<vmem>>
    %dma_wait3A_716 = arith.constant 0 : i32
    %dma_wait3A_717 = tpu.memref_slice %arg3[%dma_wait3A_709, %dma_wait3A_716] : memref<32x100096xf32, #tpu.memory_space<hbm>> -> memref<1x100096xf32, #tpu.memory_space<hbm>>
    %dma_wait3A_718 = tpu.memref_squeeze %dma_wait3A_717 : memref<1x100096xf32, #tpu.memory_space<hbm>> -> memref<100096xf32, #tpu.memory_space<hbm>>
    %dma_wait3A_719 = arith.constant 0 : i32
    %dma_wait3A_720 = tpu.memref_slice %dma_wait3A_718[%dma_wait3A_719] : memref<100096xf32, #tpu.memory_space<hbm>> -> memref<100096xf32, #tpu.memory_space<hbm>>
    tpu.wait_indirect_dma semaphore(%arg7 : memref<!tpu.dma_semaphore, #tpu.memory_space<semaphore_mem>>) src(%dma_wait3A_720 : memref<100096xf32, #tpu.memory_space<hbm>>) dst(%dma_wait3A_713 : memref<512xf32, #tpu.memory_space<vmem>>)
    %dma_wait3A_721 = arith.constant 28 : i32
    %dma_wait3A_722 = arith.constant 28 : i32
    %dma_wait3A_723 = arith.constant 0 : i32
    %dma_wait3A_724 = tpu.memref_slice %arg6[%dma_wait3A_722, %dma_wait3A_723] : memref<32x512xf32, #tpu.memory_space<vmem>> -> memref<1x512xf32, #tpu.memory_space<vmem>>
    %dma_wait3A_725 = tpu.memref_squeeze %dma_wait3A_724 : memref<1x512xf32, #tpu.memory_space<vmem>> -> memref<512xf32, #tpu.memory_space<vmem>>
    %dma_wait3A_726 = arith.constant 0 : i32
    %dma_wait3A_727 = tpu.memref_slice %arg5[%dma_wait3A_726] : memref<512xi32, #tpu.memory_space<vmem>> -> memref<512xi32, #tpu.memory_space<vmem>>
    %dma_wait3A_728 = arith.constant 0 : i32
    %dma_wait3A_729 = tpu.memref_slice %arg3[%dma_wait3A_721, %dma_wait3A_728] : memref<32x100096xf32, #tpu.memory_space<hbm>> -> memref<1x100096xf32, #tpu.memory_space<hbm>>
    %dma_wait3A_730 = tpu.memref_squeeze %dma_wait3A_729 : memref<1x100096xf32, #tpu.memory_space<hbm>> -> memref<100096xf32, #tpu.memory_space<hbm>>
    %dma_wait3A_731 = arith.constant 0 : i32
    %dma_wait3A_732 = tpu.memref_slice %dma_wait3A_730[%dma_wait3A_731] : memref<100096xf32, #tpu.memory_space<hbm>> -> memref<100096xf32, #tpu.memory_space<hbm>>
    tpu.wait_indirect_dma semaphore(%arg7 : memref<!tpu.dma_semaphore, #tpu.memory_space<semaphore_mem>>) src(%dma_wait3A_732 : memref<100096xf32, #tpu.memory_space<hbm>>) dst(%dma_wait3A_725 : memref<512xf32, #tpu.memory_space<vmem>>)
    %dma_wait3A_733 = arith.constant 29 : i32
    %dma_wait3A_734 = arith.constant 29 : i32
    %dma_wait3A_735 = arith.constant 0 : i32
    %dma_wait3A_736 = tpu.memref_slice %arg6[%dma_wait3A_734, %dma_wait3A_735] : memref<32x512xf32, #tpu.memory_space<vmem>> -> memref<1x512xf32, #tpu.memory_space<vmem>>
    %dma_wait3A_737 = tpu.memref_squeeze %dma_wait3A_736 : memref<1x512xf32, #tpu.memory_space<vmem>> -> memref<512xf32, #tpu.memory_space<vmem>>
    %dma_wait3A_738 = arith.constant 0 : i32
    %dma_wait3A_739 = tpu.memref_slice %arg5[%dma_wait3A_738] : memref<512xi32, #tpu.memory_space<vmem>> -> memref<512xi32, #tpu.memory_space<vmem>>
    %dma_wait3A_740 = arith.constant 0 : i32
    %dma_wait3A_741 = tpu.memref_slice %arg3[%dma_wait3A_733, %dma_wait3A_740] : memref<32x100096xf32, #tpu.memory_space<hbm>> -> memref<1x100096xf32, #tpu.memory_space<hbm>>
    %dma_wait3A_742 = tpu.memref_squeeze %dma_wait3A_741 : memref<1x100096xf32, #tpu.memory_space<hbm>> -> memref<100096xf32, #tpu.memory_space<hbm>>
    %dma_wait3A_743 = arith.constant 0 : i32
    %dma_wait3A_744 = tpu.memref_slice %dma_wait3A_742[%dma_wait3A_743] : memref<100096xf32, #tpu.memory_space<hbm>> -> memref<100096xf32, #tpu.memory_space<hbm>>
    tpu.wait_indirect_dma semaphore(%arg7 : memref<!tpu.dma_semaphore, #tpu.memory_space<semaphore_mem>>) src(%dma_wait3A_744 : memref<100096xf32, #tpu.memory_space<hbm>>) dst(%dma_wait3A_737 : memref<512xf32, #tpu.memory_space<vmem>>)
    %dma_wait3A_745 = arith.constant 30 : i32
    %dma_wait3A_746 = arith.constant 30 : i32
    %dma_wait3A_747 = arith.constant 0 : i32
    %dma_wait3A_748 = tpu.memref_slice %arg6[%dma_wait3A_746, %dma_wait3A_747] : memref<32x512xf32, #tpu.memory_space<vmem>> -> memref<1x512xf32, #tpu.memory_space<vmem>>
    %dma_wait3A_749 = tpu.memref_squeeze %dma_wait3A_748 : memref<1x512xf32, #tpu.memory_space<vmem>> -> memref<512xf32, #tpu.memory_space<vmem>>
    %dma_wait3A_750 = arith.constant 0 : i32
    %dma_wait3A_751 = tpu.memref_slice %arg5[%dma_wait3A_750] : memref<512xi32, #tpu.memory_space<vmem>> -> memref<512xi32, #tpu.memory_space<vmem>>
    %dma_wait3A_752 = arith.constant 0 : i32
    %dma_wait3A_753 = tpu.memref_slice %arg3[%dma_wait3A_745, %dma_wait3A_752] : memref<32x100096xf32, #tpu.memory_space<hbm>> -> memref<1x100096xf32, #tpu.memory_space<hbm>>
    %dma_wait3A_754 = tpu.memref_squeeze %dma_wait3A_753 : memref<1x100096xf32, #tpu.memory_space<hbm>> -> memref<100096xf32, #tpu.memory_space<hbm>>
    %dma_wait3A_755 = arith.constant 0 : i32
    %dma_wait3A_756 = tpu.memref_slice %dma_wait3A_754[%dma_wait3A_755] : memref<100096xf32, #tpu.memory_space<hbm>> -> memref<100096xf32, #tpu.memory_space<hbm>>
    tpu.wait_indirect_dma semaphore(%arg7 : memref<!tpu.dma_semaphore, #tpu.memory_space<semaphore_mem>>) src(%dma_wait3A_756 : memref<100096xf32, #tpu.memory_space<hbm>>) dst(%dma_wait3A_749 : memref<512xf32, #tpu.memory_space<vmem>>)
    %dma_wait3A_757 = arith.constant 31 : i32
    %dma_wait3A_758 = arith.constant 31 : i32
    %dma_wait3A_759 = arith.constant 0 : i32
    %dma_wait3A_760 = tpu.memref_slice %arg6[%dma_wait3A_758, %dma_wait3A_759] : memref<32x512xf32, #tpu.memory_space<vmem>> -> memref<1x512xf32, #tpu.memory_space<vmem>>
    %dma_wait3A_761 = tpu.memref_squeeze %dma_wait3A_760 : memref<1x512xf32, #tpu.memory_space<vmem>> -> memref<512xf32, #tpu.memory_space<vmem>>
    %dma_wait3A_762 = arith.constant 0 : i32
    %dma_wait3A_763 = tpu.memref_slice %arg5[%dma_wait3A_762] : memref<512xi32, #tpu.memory_space<vmem>> -> memref<512xi32, #tpu.memory_space<vmem>>
    %dma_wait3A_764 = arith.constant 0 : i32
    %dma_wait3A_765 = tpu.memref_slice %arg3[%dma_wait3A_757, %dma_wait3A_764] : memref<32x100096xf32, #tpu.memory_space<hbm>> -> memref<1x100096xf32, #tpu.memory_space<hbm>>
    %dma_wait3A_766 = tpu.memref_squeeze %dma_wait3A_765 : memref<1x100096xf32, #tpu.memory_space<hbm>> -> memref<100096xf32, #tpu.memory_space<hbm>>
    %dma_wait3A_767 = arith.constant 0 : i32
    %dma_wait3A_768 = tpu.memref_slice %dma_wait3A_766[%dma_wait3A_767] : memref<100096xf32, #tpu.memory_space<hbm>> -> memref<100096xf32, #tpu.memory_space<hbm>>
    tpu.wait_indirect_dma semaphore(%arg7 : memref<!tpu.dma_semaphore, #tpu.memory_space<semaphore_mem>>) src(%dma_wait3A_768 : memref<100096xf32, #tpu.memory_space<hbm>>) dst(%dma_wait3A_761 : memref<512xf32, #tpu.memory_space<vmem>>)
    "tpu.region"() ({
      %run_scoped3A = tpu.sem_alloc : memref<!tpu.dma_semaphore, #tpu.memory_space<semaphore_mem>>
      %dma_start3A_769 = arith.constant 0 : i32
      %dma_start3A_770 = tpu.memref_slice %arg4[%dma_start3A_769, %mul3A_2] : memref<32x16384xf32, #tpu.memory_space<hbm>> -> memref<32x512xf32, #tpu.memory_space<hbm>>
      %dma_start3A_771 = arith.constant 0 : i32
      %dma_start3A_772 = tpu.memref_slice %arg4[%dma_start3A_771, %mul3A_2] : memref<32x16384xf32, #tpu.memory_space<hbm>> -> memref<32x512xf32, #tpu.memory_space<hbm>>
      tpu.enqueue_dma source(%arg6 : memref<32x512xf32, #tpu.memory_space<vmem>>) target(%dma_start3A_772 : memref<32x512xf32, #tpu.memory_space<hbm>>) target_semaphore(%run_scoped3A : memref<!tpu.dma_semaphore, #tpu.memory_space<semaphore_mem>>)
      %dma_wait3A_773 = arith.constant 0 : i32
      %dma_wait3A_774 = tpu.memref_slice %arg4[%dma_wait3A_773, %mul3A_2] : memref<32x16384xf32, #tpu.memory_space<hbm>> -> memref<32x512xf32, #tpu.memory_space<hbm>>
      %dma_wait3A_775 = arith.constant 0 : i32
      %dma_wait3A_776 = tpu.memref_slice %arg4[%dma_wait3A_775, %mul3A_2] : memref<32x16384xf32, #tpu.memory_space<hbm>> -> memref<32x512xf32, #tpu.memory_space<hbm>>
      tpu.wait_dma2 semaphore(%run_scoped3A : memref<!tpu.dma_semaphore, #tpu.memory_space<semaphore_mem>>) src(%arg6 : memref<32x512xf32, #tpu.memory_space<vmem>>) dst(%dma_wait3A_776 : memref<32x512xf32, #tpu.memory_space<hbm>>)
      tpu.yield
    }) : () -> ()
    return
  }
}

</mosaic_0001>

<sc_bundles>
// kernel: kernel.3.cloned.1.call-start
scs
__scs_entry_jumppad:
0x0: {  	(pc) =	sbr.rel $0x88, $3  }
0x1: {  	(tag) =	ssettag $0x0;
	lr =	simm.s32 $0x1  }
0x2: {  	[smem:$0x3F9F] =	sst lr;
	_ =	strace $0xD0000000  }
0x3: {  	_ = 	snop  }
0x4: {  	_ = 	snop  }
0x5: {  	_ = 	snop  }
0x6: {  	_ = 	snop  }
0x7: {  	_ = 	snop  }
__scs_overlays_trampoline_lowered:
0x8: {  	[smem:$0x3FAE] =	sst s0  }
0x9: {  	[smem:$0x3FAF] =	sst s1  }
0xa: {  	[smem:$0x3FB0] =	sst s2  }
0xb: {  	[smem:$0x3FB1] =	sst s3  }
0xc: {  	[smem:$0x3FB2] =	sst s4  }
0xd: {  	[smem:$0x3FB3] =	sst s5  }
0xe: {  	[smem:$0x3FB4] =	sst s6  }
0xf: {  	[smem:$0x3FB5] =	sst s7  }
0x10: {  	[smem:$0x3FB6] =	sst s8  }
0x11: {  	[smem:$0x3FB7] =	sst s9;
	s0 =	simm.s32 @!p0 $0x0  }
0x12: {  	s1 =	sld [smem:$0x3F9D];
	s0 =	simm.s32 @p0 $0x1  }
0x13: {  	[smem:$0x3FB8] =	sst s0;
	s0 =	simm.s32 @!p1 $0x0  }
0x14: {  	s2 =	sld [smem:$0x3F9C];
	s0 =	simm.s32 @p1 $0x1  }
0x15: {  	[smem:$0x3FB9] =	sst s0;
	s0 =	simm.s32 @!p2 $0x0  }
0x16: {  	s3 =	sld [smem:$0x3FDB];
	s0 =	simm.s32 @p2 $0x1  }
0x17: {  	s4 =	simm.s32 $0x1BF5;
	[smem:$0x3FBB] =	sst s0  }
0x18: {  	s0 =	sld [smem:$0x3F9E];
	_ =	swait.ge [sflag:s4], $0x0  }
0x19: {  	s7 =	sld [smem:$0x3F9F]  }
0x1a: {  	s8 =	sadd.s32 $0xFFFFE003, lr  }
0x1b: {  	s9 =	sadd.s32 $0xFFFFFEF7, lr;
	s5 =	simm.s32 $0xFFFFFFFF;
	p2 =	slt.u32 s8, $0xFFFFF086  }
0x1c: {  	p1 =	slt.u32 s9, $0xF7A;
	s5 =	simm.s32 @!p2 $0x0  }
0x1d: {  	s5 =	simm.s32 @p1 $0x1;
	p0 =	seq.s32 s7, s2  }
0x1e: {  	s7 =	smul.u32 @!p0 $0xF7A, s2;
	p2 =	seq.s32 @!p0 s5, $0x0  }
0x1f: {  	s9 =	smul.u32 $0xF7A, s1;
	s8 =	simm.s32 @!p0 $0x1BF5;
	p2 =	por !p2, p0  }
0x20: {  	[sflag:s8] =	ssyncset.s32 @!p0 $0xFFFFF086;
	s6 =	sadd.s32 @!p0 s3, s7;
	s7 =	simm.s32 @!p0 $0x108  }
0x21: {  	s3 =	sadd.s32 s3, s9;
	s6 =	sadd.s32 @!p0 $0x88, s6;
	s7 =	simm.s32 @p2 $0x1082  }
0x22: {  	[simem:s7], [sflag:s8] =	dma.local @!p0 [hbm:s6], $0xF7A  }
0x23: {  	s9 =	sor.u32 $0xD0000000, s2;
	s6 =	simm.s32 $0x108;
	_ =	swait.ge @!p0 [sflag:s8], $0x0  }
0x24: {  	s3 =	sadd.s32 $0x88, s3;
	s6 =	simm.s32 @!p1 $0x1082;
	[sflag:s4] =	ssyncset.s32 $0xFFFFF086  }
0x25: {  	[simem:s6], [sflag:s4] =	dma.local [hbm:s3], $0xF7A  }
0x26: {  	[smem:$0x3F9F] =	sst s1;
	(tag) =	ssettag s2;
	_ =	strace s9  }
0x27: {  	s1 =	sld [smem:$0x3FAF]  }
0x28: {  	s2 =	sld [smem:$0x3FB0]  }
0x29: {  	s4 =	sld [smem:$0x3FB2]  }
0x2a: {  	p0 =	seq.s32 s5, $0x0;
	s5 =	sld [smem:$0x3FB3]  }
0x2b: {  	s6 =	sld [smem:$0x3FB4]  }
0x2c: {  	s7 =	sld [smem:$0x3FB5]  }
0x2d: {  	s3 =	simm.s32 $0x108;
	s8 =	sld [smem:$0x3FB6]  }
0x2e: {  	s3 =	simm.s32 @!p0 $0x1082;
	s9 =	sld [smem:$0x3FB7]  }
0x2f: {  	lr =	sadd.s32 s0, s3;
	s0 =	sld [smem:$0x3FAE]  }
0x30: {  	s3 =	sld [smem:$0x3FB1]  }
0x31: {  	[smem:$0x3FBA] =	sst s10  }
0x32: {  	s10 =	sld [smem:$0x3FB8];
	_ =	sdelay $0x3  }
0x33: {  	p0 =	seq.s32 s10, $0x1;
	s10 =	sld [smem:$0x3FBA];
	_ =	sdelay $0x3  }
0x34: {  	[smem:$0x3FBA] =	sst s10  }
0x35: {  	s10 =	sld [smem:$0x3FB9];
	_ =	sdelay $0x3  }
0x36: {  	p1 =	seq.s32 s10, $0x1;
	s10 =	sld [smem:$0x3FBA];
	_ =	sdelay $0x3  }
0x37: {  	[smem:$0x3FBA] =	sst s10  }
0x38: {  	s10 =	sld [smem:$0x3FBB]  }
0x39: {  	_ = 	snop;
	(pc) =	sbr.ind lr, $3  }
0x3a: {  	_ = 	snop  }
0x3b: {  	_ = 	snop  }
0x3c: {  	p2 =	seq.s32 s10, $0x1;
	s10 =	sld [smem:$0x3FBA]  }
0x3d: {  	_ =	shalt  }
0x3e: {  	_ =	shalt  }
0x3f: {  	_ =	shalt  }
0x40: {  	_ =	shalt  }
0x41: {  	_ =	shalt  }
0x42: {  	_ =	shalt  }
0x43: {  	_ =	shalt  }
0x44: {  	_ =	shalt  }
0x45: {  	_ =	shalt  }
0x46: {  	_ =	shalt  }
0x47: {  	_ =	shalt  }
0x48: {  	_ =	shalt  }
0x49: {  	_ =	shalt  }
0x4a: {  	_ =	shalt  }
0x4b: {  	_ =	shalt  }
0x4c: {  	_ =	shalt  }
0x4d: {  	_ =	shalt  }
0x4e: {  	_ =	shalt  }
0x4f: {  	_ =	shalt  }
0x50: {  	_ =	shalt  }
0x51: {  	_ =	shalt  }
0x52: {  	_ =	shalt  }
0x53: {  	_ =	shalt  }
0x54: {  	_ =	shalt  }
0x55: {  	_ =	shalt  }
0x56: {  	_ =	shalt  }
0x57: {  	_ =	shalt  }
0x58: {  	_ =	shalt  }
0x59: {  	_ =	shalt  }
0x5a: {  	_ =	shalt  }
0x5b: {  	_ =	shalt  }
0x5c: {  	_ =	shalt  }
0x5d: {  	_ =	shalt  }
0x5e: {  	_ =	shalt  }
0x5f: {  	_ =	shalt  }
0x60: {  	_ =	shalt  }
0x61: {  	_ =	shalt  }
0x62: {  	_ =	shalt  }
0x63: {  	_ =	shalt  }
0x64: {  	_ =	shalt  }
0x65: {  	_ =	shalt  }
0x66: {  	_ =	shalt  }
0x67: {  	_ =	shalt  }
0x68: {  	_ =	shalt  }
0x69: {  	_ =	shalt  }
0x6a: {  	_ =	shalt  }
0x6b: {  	_ =	shalt  }
0x6c: {  	_ =	shalt  }
0x6d: {  	_ =	shalt  }
0x6e: {  	_ =	shalt  }
0x6f: {  	_ =	shalt  }
0x70: {  	_ =	shalt  }
0x71: {  	_ =	shalt  }
0x72: {  	_ =	shalt  }
0x73: {  	_ =	shalt  }
0x74: {  	_ =	shalt  }
0x75: {  	_ =	shalt  }
0x76: {  	_ =	shalt  }
0x77: {  	_ =	shalt  }
0x78: {  	_ =	shalt  }
0x79: {  	_ =	shalt  }
0x7a: {  	_ =	shalt  }
0x7b: {  	_ =	shalt  }
0x7c: {  	_ =	shalt  }
0x7d: {  	_ =	shalt  }
0x7e: {  	_ =	shalt  }
0x7f: {  	_ =	shalt  }
0x80: {  	_ =	shalt  }
0x81: {  	_ =	shalt  }
0x82: {  	_ =	shalt  }
0x83: {  	_ =	shalt  }
0x84: {  	_ =	shalt  }
0x85: {  	_ =	shalt  }
0x86: {  	_ =	shalt  }
0x87: {  	_ =	shalt  }
.Lfunc_end0:
.L_simem_size_0:
called_computation_lowered:
.L_overlay_start_0:
0x88: {  	s2 =	sld [smem:$0x3FD9]  }
0x89: {  	s3 =	sld [smem:$0x3FFE];
	_ =	sdelay $0x1  }
0x8a: {  	s1 =	srdreg.scid  }
0x8b: {  	s0 =	sand.u32 $0x1, s1  }
0x8c: {  	s17 =	sshll.u32 s0, $0xA;
	s2 =	sadd.s32 s3, s2  }
0x8d: {  	s2 =	sadd.s32 s2, s17  }
0x8e: {  	[smem:$0x3FC6] =	sst s2  }
0x8f: {  	_ = 	snop  }
0x90: {  	s2 =	sld [smem:$0x3FC9];
	(tm) =	ssettm $0x1  }
0x91: {  	s18 =	sld [smem:$0x3FFB];
	_ =	sdelay $0x3  }
0x92: {  	_ =	strace s18  }
0x93: {  	s3 =	sld [smem:$0x3FFC];
	_ =	sdelay $0x3  }
0x94: {  	_ =	strace s3  }
0x95: {  	s3 =	sld [smem:$0x3FFD];
	_ =	sdelay $0x3  }
0x96: {  	_ =	strace s3  }
0x97: {  	_ =	strace $0x8FFFFFFF  }
0x98: {  	s19 =	sld [smem:$0x3FDB];
	_ =	sdelay $0x1  }
0x99: {  	s4 =	simm.s32 $_scs_section_size  }
0x9a: {  	s5 =	simm.s32 $_size__tile_overlayer_lowered;
	s6 =	simm.s32 $_tile_overlayer_lowered  }
0x9b: {  	s22 =	simm.s32 $0x1BFF;
	s21 =	sshll.u32 s6, $0x1;
	s3 =	sadd.s32 s4, s19  }
0x9c: {  	s7 =	simm.s32 $0x0;
	s20 =	sshll.u32 s5, $0x1;
	s5 =	sadd.s32 s21, s3  }
0x9d: {  	[timem:s7], [sflag:s22] =	dma.local [hbm:s5], s20  }
0x9e: {  	_ =	swait.ge [sflag:s22], s20  }
0x9f: {  	s4 =	ssub.s32 $0x0, s20;
	[sflag:s22] =	ssyncset.done $0x0  }
0xa0: {  	[sflag:s22] =	ssyncadd.s32 s4;
	_ =	sdelay $0x1  }
0xa1: {  	s23 =	simm.s32 $0x1B8B  }
0xa2: {  	_ =	swait.ge [sflag:s23], $0x1  }
0xa3: {  	[sflag:s23] =	ssyncset.done $0x0  }
0xa4: {  	s25 =	simm.s32 $0x1B8E;
	s24 =	sld [smem:$0x3FFE];
	[sflag:s23] =	ssyncadd.s32 $0xFFFFFFFF  }
0xa5: {  	s26 =	simm.s32 $execute0_lowered;
	[smem:$0x3FD2] =	sst s25  }
0xa6: {  	s5 =	sshll.u32 s26, $0x1;
	_ =	strace $0x80000046;
	[dreg:$0x1] =	wrdreg $0xFFFFFFFF  }
0xa7: {  	s28 =	simm.s32 $_size_execute0_lowered;
	s3 =	sadd.s32 s3, s5;
	[dreg:$0x0] =	wrdreg $0x0  }
0xa8: {  	s5 =	sshll.u32 s28, $0x1;
	[dreg:$0x2] =	wrdreg s3  }
0xa9: {  	[dreg:$0x3] =	wrdreg s5  }
0xaa: {  	[dreg:$0x4] =	wrdreg $0xC0  }
0xab: {  	_ =	task [dreg:s7], $0x5FFFF  }
0xac: {  	[dreg:$0x1] =	wrdreg $0xFFFFFFFF  }
0xad: {  	[dreg:$0x0] =	wrdreg $0x60  }
0xae: {  	[dreg:$0x2] =	wrdreg s2  }
0xaf: {  	[dreg:$0x3] =	wrdreg s24  }
0xb0: {  	[dreg:$0x4] =	wrdreg $0x9  }
0xb1: {  	_ =	task.clear_ibuf [dreg:s7], $0x5FFFF;
	_ =	strace $0x90000046  }
0xb2: {  	s29 =	simm.s32 $0x9;
	_ =	strace $0x80000048  }
0xb3: {  	_ =	swait.ge [sflag:s29], $0x1  }
0xb4: {  	[sflag:s29] =	ssyncadd.s32 $0xFFFFFFFF  }
0xb5: {  	_ =	strace $0x90000048  }
0xb6: {  	_ =	sfence  }
0xb7: {  	s30 =	sld [smem:$0x0];
	_ =	sdelay $0x2  }
0xb8: {  	s31 =	sshll.u32 s1, $0xD;
	s1 =	sshrl.u32 s1, $0x2  }
0xb9: {  	s3 =	sand.u32 $0x4000, s31;
	s1 =	sadd.s32 s1, s30  }
0xba: {  	s0 =	sor.u32 s3, s0;
	s1 =	sshll.u32 s1, $0x11  }
0xbb: {  	s0 =	sor.u32 s1, s0  }
0xbc: {  	s0 =	sadd.s32 $0x8F2B, s0  }
0xbd: {  	[sflag:s0] =	ssyncadd.remote.s32 $0x1  }
0xbe: {  	_ =	sfence.sel $0xFFFF  }
0xbf: {  	[dreg:$0x0] =	wrdreg $0xFFFFFFFF;
	(pc) =	sbr.abs _section_cstart, $3  }
0xc0: {  	[dreg:$0x1] =	wrdreg $0xFFFFFFFF  }
0xc1: {  	_ =	task.clear_ibuf [dreg:s7], $0x2FFFF;
	_ =	strace $0x9FFFFFFF  }
0xc2: {  	(tm) =	ssettm $0x7FFFFFFF  }
0xc3: {  	_ =	shalt  }
tec
execute0_lowered:
.L_overlay_start_1:
0x0: {  	(tag) =	ssettag $0x1  }
0x1: {  	s5 =	rddreg [dreg:$0x0]  }
0x2: {  	s3 =	rddreg [dreg:$0x1];
	s2 =	simm.s32 $0x0;
	s1 =	stileid.u32  }
0x3: {  	[smem:$0x7FF] =	sst s2;
	s4 =	sshll.u32 s1, $0x7;
	s7 =	sadd.s32 $0x400, s3  }
0x4: {  	s1 =	sadd.s32 $0x34E0, s3;
	_ =	strace $0x80000047;
	[dreg:$0x3] =	wrdreg s7  }
0x5: {  	s8 =	sadd.s32 $0xC780, s3;
	[dreg:$0x5] =	wrdreg s1  }
0x6: {  	s9 =	sadd.s32 $0xF860, s3;
	[dreg:$0x8] =	wrdreg s8  }
0x7: {  	s10 =	sadd.s32 $0x12940, s3;
	[dreg:$0x9] =	wrdreg s9  }
0x8: {  	s11 =	sadd.s32 $0x15A20, s3;
	[dreg:$0xa] =	wrdreg s10  }
0x9: {  	s12 =	sadd.s32 $0x18B00, s3;
	[dreg:$0xb] =	wrdreg s11  }
0xa: {  	s13 =	sadd.s32 $0x1BBE0, s3;
	[dreg:$0xc] =	wrdreg s12  }
0xb: {  	s14 =	sadd.s32 $0x1ECC0, s3;
	[dreg:$0xd] =	wrdreg s13  }
0xc: {  	s15 =	sadd.s32 $0x21DA0, s3;
	[dreg:$0xe] =	wrdreg s14  }
0xd: {  	s16 =	sadd.s32 $0x24E80, s3;
	[dreg:$0xf] =	wrdreg s15  }
0xe: {  	s17 =	sadd.s32 $0x27F60, s3;
	[dreg:$0x10] =	wrdreg s16  }
0xf: {  	s18 =	sadd.s32 $0x2B040, s3;
	[dreg:$0x11] =	wrdreg s17  }
0x10: {  	s19 =	sadd.s32 $0x2E120, s3;
	[dreg:$0x12] =	wrdreg s18  }
0x11: {  	s20 =	sadd.s32 $0x31200, s3;
	[dreg:$0x13] =	wrdreg s19  }
0x12: {  	s21 =	sadd.s32 $0x342E0, s3;
	[dreg:$0x14] =	wrdreg s20  }
0x13: {  	s22 =	sadd.s32 $0x373C0, s3;
	[dreg:$0x15] =	wrdreg s21  }
0x14: {  	s23 =	sadd.s32 $0x3A4A0, s3;
	[dreg:$0x16] =	wrdreg s22  }
0x15: {  	s24 =	sadd.s32 $0x3D580, s3;
	[dreg:$0x17] =	wrdreg s23  }
0x16: {  	s25 =	sadd.s32 $0x40660, s3;
	[dreg:$0x18] =	wrdreg s24  }
0x17: {  	s26 =	sadd.s32 $0x43740, s3;
	[dreg:$0x19] =	wrdreg s25  }
0x18: {  	s7 =	sadd.s32 $0x96A0, s3;
	[dreg:$0x1a] =	wrdreg s26  }
0x19: {  	s1 =	sadd.s32 $0x46820, s3;
	[dreg:$0x7] =	wrdreg s7  }
0x1a: {  	s8 =	sadd.s32 $0x4FAC0, s3;
	[dreg:$0x1b] =	wrdreg s1  }
0x1b: {  	s9 =	sadd.s32 $0x52BA0, s3;
	[dreg:$0x1e] =	wrdreg s8  }
0x1c: {  	s10 =	sadd.s32 $0x55C80, s3;
	[dreg:$0x1f] =	wrdreg s9  }
0x1d: {  	s11 =	sadd.s32 $0x58D60, s3;
	[smem:$0x7FA] =	sst s10  }
0x1e: {  	s12 =	sadd.s32 $0x5BE40, s3;
	[smem:$0x7FB] =	sst s11  }
0x1f: {  	s14 =	simm.s32 $0x400;
	[smem:$0x7FC] =	sst s12  }
0x20: {  	s15 =	simm.s32 $0x600;
	[smem:$0x7F7] =	sst s14  }
0x21: {  	s16 =	simm.s32 $0x800;
	[smem:$0x7F8] =	sst s15  }
0x22: {  	s0 =	srdreg.scid;
	s17 =	simm.s32 $0xA00;
	[smem:$0x7F9] =	sst s16  }
0x23: {  	s0 =	sand.u32 $0x1, s0;
	s18 =	simm.s32 $0xC00;
	[smem:$0x7F6] =	sst s17  }
0x24: {  	s6 =	sshll.u32 s0, $0x6;
	s20 =	simm.s32 $0xE00;
	[smem:$0x7F5] =	sst s18  }
0x25: {  	s4 =	sor.u32 s6, s4;
	s6 =	sadd.s32 $0x65C0, s3;
	[smem:$0x7F4] =	sst s20  }
0x26: {  	s7 =	sadd.s32 $0x4C9E0, s3;
	[dreg:$0x6] =	wrdreg s6  }
0x27: {  	s5 =	sadd.s32 s5, s4;
	[dreg:$0x1d] =	wrdreg s7  }
0x28: {  	s6 =	sadd.s32 $0x49900, s3;
	[dreg:$0x4] =	wrdreg s5  }
0x29: {  	s4 =	sadd.s32 s4, s3;
	s3 =	sadd.s32 $0x5EF20, s3;
	[dreg:$0x1c] =	wrdreg s6  }
0x2a: {  	[smem:$0x7FD] =	sst s3;
	s13 =	sadd.s32 $0x62000, s4  }
0x2b: {  	[smem:$0x7F3] =	sst s13  }
0x2c: {  	s3 =	simm.s32 $0x2;
	s19 =	rddreg [dreg:$0x4]  }
0x2d: {  	[tilespmem:s2], [sflag:$0x2] =	stream.linear.gather [hbm4b:s19+s2], $0x200, $0x38;
	[tilespmem:$0x4200] =	vst v63  }
0x2e: {  	_ =	swait.ge [sflag:s3], $0x200  }
0x2f: {  	s21 =	sld [smem:$0x7F4]  }
0x30: {  	s22 =	sld [smem:$0x7F5]  }
0x31: {  	s23 =	sld [smem:$0x7F6]  }
0x32: {  	s8 =	rddreg [dreg:$0x5]  }
0x33: {  	s9 =	sld [smem:$0x7F7]  }
0x34: {  	s10 =	rddreg [dreg:$0x3]  }
0x35: {  	[sflag:s3] =	ssyncset.done $0x0;
	s11 =	sld [smem:$0x7F8]  }
0x36: {  	s4 =	simm.s32 $0x200;
	s12 =	sld [smem:$0x7F9];
	[sflag:s3] =	ssyncadd.s32 $0xFFFFFE00  }
0x37: {  	[tilespmem:s4], [sflag:$0x1] =	stream.indirect.gather [hbm4b:s10+s4], $0x1, s2, s4, $0xb8;
	[tilespmem:$0x4200] =	vst v63  }
0x38: {  	s24 =	rddreg [dreg:$0x6]  }
0x39: {  	[tilespmem:s9], [sflag:$0x1] =	stream.indirect.gather [hbm4b:s8+s4], $0x1, s2, s4, $0xb8;
	[tilespmem:$0x4200] =	vst v63  }
0x3a: {  	s25 =	rddreg [dreg:$0x7]  }
0x3b: {  	[tilespmem:s11], [sflag:$0x1] =	stream.indirect.gather [hbm4b:s24+s4], $0x1, s2, s4, $0xb8;
	[tilespmem:$0x4200] =	vst v63  }
0x3c: {  	s26 =	rddreg [dreg:$0x8]  }
0x3d: {  	[tilespmem:s12], [sflag:$0x1] =	stream.indirect.gather [hbm4b:s25+s4], $0x1, s2, s4, $0xb8;
	[tilespmem:$0x4200] =	vst v63  }
0x3e: {  	s1 =	rddreg [dreg:$0x9]  }
0x3f: {  	[tilespmem:s23], [sflag:$0x1] =	stream.indirect.gather [hbm4b:s26+s4], $0x1, s2, s4, $0xb8;
	[tilespmem:$0x4200] =	vst v63  }
0x40: {  	s13 =	rddreg [dreg:$0xc]  }
0x41: {  	[tilespmem:s22], [sflag:$0x1] =	stream.indirect.gather [hbm4b:s1+s4], $0x1, s2, s4, $0xb8;
	[tilespmem:$0x4200] =	vst v63  }
0x42: {  	s10 =	rddreg [dreg:$0xa]  }
0x43: {  	[tilespmem:s21], [sflag:$0x1] =	stream.indirect.gather [hbm4b:s10+s4], $0x1, s2, s4, $0xb8;
	[tilespmem:$0x4200] =	vst v63  }
0x44: {  	s11 =	rddreg [dreg:$0xb];
	s12 =	simm.s32 $0x1000  }
0x45: {  	[tilespmem:s12], [sflag:$0x1] =	stream.indirect.gather [hbm4b:s11+s4], $0x1, s2, s4, $0xb8;
	[tilespmem:$0x4200] =	vst v63  }
0x46: {  	s14 =	simm.s32 $0x1200;
	s15 =	rddreg [dreg:$0xd]  }
0x47: {  	[tilespmem:s14], [sflag:$0x1] =	stream.indirect.gather [hbm4b:s13+s4], $0x1, s2, s4, $0xb8;
	[tilespmem:$0x4200] =	vst v63  }
0x48: {  	s16 =	simm.s32 $0x1400;
	s17 =	rddreg [dreg:$0xe]  }
0x49: {  	[tilespmem:s16], [sflag:$0x1] =	stream.indirect.gather [hbm4b:s15+s4], $0x1, s2, s4, $0xb8;
	[tilespmem:$0x4200] =	vst v63  }
0x4a: {  	s18 =	simm.s32 $0x1600;
	s19 =	rddreg [dreg:$0xf]  }
0x4b: {  	[tilespmem:s18], [sflag:$0x1] =	stream.indirect.gather [hbm4b:s17+s4], $0x1, s2, s4, $0xb8;
	[tilespmem:$0x4200] =	vst v63  }
0x4c: {  	s20 =	simm.s32 $0x1800;
	s5 =	rddreg [dreg:$0x1e]  }
0x4d: {  	[tilespmem:s20], [sflag:$0x1] =	stream.indirect.gather [hbm4b:s19+s4], $0x1, s2, s4, $0xb8;
	[tilespmem:$0x4200] =	vst v63  }
0x4e: {  	s22 =	simm.s32 $0x1A00;
	s21 =	rddreg [dreg:$0x10]  }
0x4f: {  	[tilespmem:s22], [sflag:$0x1] =	stream.indirect.gather [hbm4b:s21+s4], $0x1, s2, s4, $0xb8;
	[tilespmem:$0x4200] =	vst v63  }
0x50: {  	s24 =	simm.s32 $0x1C00;
	s23 =	rddreg [dreg:$0x11]  }
0x51: {  	[tilespmem:s24], [sflag:$0x1] =	stream.indirect.gather [hbm4b:s23+s4], $0x1, s2, s4, $0xb8;
	[tilespmem:$0x4200] =	vst v63  }
0x52: {  	s12 =	simm.s32 $0x1E00;
	s13 =	rddreg [dreg:$0x12]  }
0x53: {  	[tilespmem:s12], [sflag:$0x1] =	stream.indirect.gather [hbm4b:s13+s4], $0x1, s2, s4, $0xb8;
	[tilespmem:$0x4200] =	vst v63  }
0x54: {  	s14 =	rddreg [dreg:$0x13];
	s13 =	simm.s32 $0x2000  }
0x55: {  	[tilespmem:s13], [sflag:$0x1] =	stream.indirect.gather [hbm4b:s14+s4], $0x1, s2, s4, $0xb8;
	[tilespmem:$0x4200] =	vst v63  }
0x56: {  	s15 =	rddreg [dreg:$0x14];
	s14 =	simm.s32 $0x2200  }
0x57: {  	[tilespmem:s14], [sflag:$0x1] =	stream.indirect.gather [hbm4b:s15+s4], $0x1, s2, s4, $0xb8;
	[tilespmem:$0x4200] =	vst v63  }
0x58: {  	s16 =	rddreg [dreg:$0x15];
	s15 =	simm.s32 $0x2400  }
0x59: {  	[tilespmem:s15], [sflag:$0x1] =	stream.indirect.gather [hbm4b:s16+s4], $0x1, s2, s4, $0xb8;
	[tilespmem:$0x4200] =	vst v63  }
0x5a: {  	s17 =	rddreg [dreg:$0x16];
	s16 =	simm.s32 $0x2600  }
0x5b: {  	[tilespmem:s16], [sflag:$0x1] =	stream.indirect.gather [hbm4b:s17+s4], $0x1, s2, s4, $0xb8;
	[tilespmem:$0x4200] =	vst v63  }
0x5c: {  	s18 =	rddreg [dreg:$0x17];
	s17 =	simm.s32 $0x2800  }
0x5d: {  	[tilespmem:s17], [sflag:$0x1] =	stream.indirect.gather [hbm4b:s18+s4], $0x1, s2, s4, $0xb8;
	[tilespmem:$0x4200] =	vst v63  }
0x5e: {  	s19 =	rddreg [dreg:$0x18];
	s18 =	simm.s32 $0x2A00  }
0x5f: {  	[tilespmem:s18], [sflag:$0x1] =	stream.indirect.gather [hbm4b:s19+s4], $0x1, s2, s4, $0xb8;
	[tilespmem:$0x4200] =	vst v63  }
0x60: {  	s20 =	rddreg [dreg:$0x19];
	s19 =	simm.s32 $0x2C00  }
0x61: {  	[tilespmem:s19], [sflag:$0x1] =	stream.indirect.gather [hbm4b:s20+s4], $0x1, s2, s4, $0xb8;
	[tilespmem:$0x4200] =	vst v63  }
0x62: {  	s22 =	rddreg [dreg:$0x1a];
	s21 =	simm.s32 $0x2E00  }
0x63: {  	[tilespmem:s21], [sflag:$0x1] =	stream.indirect.gather [hbm4b:s22+s4], $0x1, s2, s4, $0xb8;
	[tilespmem:$0x4200] =	vst v63  }
0x64: {  	s25 =	rddreg [dreg:$0x1b];
	s23 =	simm.s32 $0x3000  }
0x65: {  	[tilespmem:s23], [sflag:$0x1] =	stream.indirect.gather [hbm4b:s25+s4], $0x1, s2, s4, $0xb8;
	[tilespmem:$0x4200] =	vst v63  }
0x66: {  	s26 =	rddreg [dreg:$0x1c];
	s24 =	simm.s32 $0x3200  }
0x67: {  	[tilespmem:s24], [sflag:$0x1] =	stream.indirect.gather [hbm4b:s26+s4], $0x1, s2, s4, $0xb8;
	[tilespmem:$0x4200] =	vst v63  }
0x68: {  	s1 =	rddreg [dreg:$0x1d];
	s25 =	simm.s32 $0x3400  }
0x69: {  	[tilespmem:s25], [sflag:$0x1] =	stream.indirect.gather [hbm4b:s1+s4], $0x1, s2, s4, $0xb8;
	[tilespmem:$0x4200] =	vst v63  }
0x6a: {  	s6 =	rddreg [dreg:$0x1f];
	s26 =	simm.s32 $0x3600  }
0x6b: {  	[tilespmem:s26], [sflag:$0x1] =	stream.indirect.gather [hbm4b:s5+s4], $0x1, s2, s4, $0xb8;
	[tilespmem:$0x4200] =	vst v63  }
0x6c: {  	s28 =	simm.s32 $0x3800;
	s7 =	sld [smem:$0x7FA]  }
0x6d: {  	[tilespmem:s28], [sflag:$0x1] =	stream.indirect.gather [hbm4b:s6+s4], $0x1, s2, s4, $0xb8;
	[tilespmem:$0x4200] =	vst v63  }
0x6e: {  	s29 =	simm.s32 $0x3A00;
	s8 =	sld [smem:$0x7FB]  }
0x6f: {  	[tilespmem:s29], [sflag:$0x1] =	stream.indirect.gather [hbm4b:s7+s4], $0x1, s2, s4, $0xb8;
	[tilespmem:$0x4200] =	vst v63  }
0x70: {  	s30 =	simm.s32 $0x3C00;
	s9 =	sld [smem:$0x7FC]  }
0x71: {  	[tilespmem:s30], [sflag:$0x1] =	stream.indirect.gather [hbm4b:s8+s4], $0x1, s2, s4, $0xb8;
	[tilespmem:$0x4200] =	vst v63  }
0x72: {  	s31 =	simm.s32 $0x3E00;
	s10 =	sld [smem:$0x7FD]  }
0x73: {  	[tilespmem:s31], [sflag:$0x1] =	stream.indirect.gather [hbm4b:s9+s4], $0x1, s2, s4, $0xb8;
	[tilespmem:$0x4200] =	vst v63  }
0x74: {  	s20 =	simm.s32 $0x4000;
	s22 =	simm.s32 $0x1  }
0x75: {  	[tilespmem:s20], [sflag:$0x1] =	stream.indirect.gather [hbm4b:s10+s4], $0x1, s2, s4, $0xb8;
	[tilespmem:$0x4200] =	vst v63  }
0x76: {  	_ =	swait.ge [sflag:s22], $0x200  }
0x77: {  	[sflag:s22] =	ssyncset.done $0x0  }
0x78: {  	[sflag:s22] =	ssyncadd.s32 $0xFFFFFE00  }
0x79: {  	_ =	swait.ge [sflag:s22], $0x200  }
0x7a: {  	[sflag:s22] =	ssyncset.done $0x0  }
0x7b: {  	[sflag:s22] =	ssyncadd.s32 $0xFFFFFE00  }
0x7c: {  	_ =	swait.ge [sflag:s22], $0x200  }
0x7d: {  	[sflag:s22] =	ssyncset.done $0x0  }
0x7e: {  	[sflag:s22] =	ssyncadd.s32 $0xFFFFFE00  }
0x7f: {  	_ =	swait.ge [sflag:s22], $0x200  }
0x80: {  	[sflag:s22] =	ssyncset.done $0x0  }
0x81: {  	[sflag:s22] =	ssyncadd.s32 $0xFFFFFE00  }
0x82: {  	_ =	swait.ge [sflag:s22], $0x200  }
0x83: {  	[sflag:s22] =	ssyncset.done $0x0  }
0x84: {  	[sflag:s22] =	ssyncadd.s32 $0xFFFFFE00  }
0x85: {  	_ =	swait.ge [sflag:s22], $0x200  }
0x86: {  	[sflag:s22] =	ssyncset.done $0x0  }
0x87: {  	[sflag:s22] =	ssyncadd.s32 $0xFFFFFE00  }
0x88: {  	_ =	swait.ge [sflag:s22], $0x200  }
0x89: {  	[sflag:s22] =	ssyncset.done $0x0  }
0x8a: {  	[sflag:s22] =	ssyncadd.s32 $0xFFFFFE00  }
0x8b: {  	_ =	swait.ge [sflag:s22], $0x200  }
0x8c: {  	[sflag:s22] =	ssyncset.done $0x0  }
0x8d: {  	[sflag:s22] =	ssyncadd.s32 $0xFFFFFE00  }
0x8e: {  	_ =	swait.ge [sflag:s22], $0x200  }
0x8f: {  	[sflag:s22] =	ssyncset.done $0x0  }
0x90: {  	[sflag:s22] =	ssyncadd.s32 $0xFFFFFE00  }
0x91: {  	_ =	swait.ge [sflag:s22], $0x200  }
0x92: {  	[sflag:s22] =	ssyncset.done $0x0  }
0x93: {  	[sflag:s22] =	ssyncadd.s32 $0xFFFFFE00  }
0x94: {  	_ =	swait.ge [sflag:s22], $0x200  }
0x95: {  	[sflag:s22] =	ssyncset.done $0x0  }
0x96: {  	[sflag:s22] =	ssyncadd.s32 $0xFFFFFE00  }
0x97: {  	_ =	swait.ge [sflag:s22], $0x200  }
0x98: {  	[sflag:s22] =	ssyncset.done $0x0  }
0x99: {  	[sflag:s22] =	ssyncadd.s32 $0xFFFFFE00  }
0x9a: {  	_ =	swait.ge [sflag:s22], $0x200  }
0x9b: {  	[sflag:s22] =	ssyncset.done $0x0  }
0x9c: {  	[sflag:s22] =	ssyncadd.s32 $0xFFFFFE00  }
0x9d: {  	_ =	swait.ge [sflag:s22], $0x200  }
0x9e: {  	[sflag:s22] =	ssyncset.done $0x0  }
0x9f: {  	[sflag:s22] =	ssyncadd.s32 $0xFFFFFE00  }
0xa0: {  	_ =	swait.ge [sflag:s22], $0x200  }
0xa1: {  	[sflag:s22] =	ssyncset.done $0x0  }
0xa2: {  	[sflag:s22] =	ssyncadd.s32 $0xFFFFFE00  }
0xa3: {  	_ =	swait.ge [sflag:s22], $0x200  }
0xa4: {  	[sflag:s22] =	ssyncset.done $0x0  }
0xa5: {  	[sflag:s22] =	ssyncadd.s32 $0xFFFFFE00  }
0xa6: {  	_ =	swait.ge [sflag:s22], $0x200  }
0xa7: {  	[sflag:s22] =	ssyncset.done $0x0  }
0xa8: {  	[sflag:s22] =	ssyncadd.s32 $0xFFFFFE00  }
0xa9: {  	_ =	swait.ge [sflag:s22], $0x200  }
0xaa: {  	[sflag:s22] =	ssyncset.done $0x0  }
0xab: {  	[sflag:s22] =	ssyncadd.s32 $0xFFFFFE00  }
0xac: {  	_ =	swait.ge [sflag:s22], $0x200  }
0xad: {  	[sflag:s22] =	ssyncset.done $0x0  }
0xae: {  	[sflag:s22] =	ssyncadd.s32 $0xFFFFFE00  }
0xaf: {  	_ =	swait.ge [sflag:s22], $0x200  }
0xb0: {  	[sflag:s22] =	ssyncset.done $0x0  }
0xb1: {  	[sflag:s22] =	ssyncadd.s32 $0xFFFFFE00  }
0xb2: {  	s0 =	ssub.s32 $0x2, s0;
	_ =	swait.ge [sflag:s22], $0x200  }
0xb3: {  	s11 =	sshrl.u32 s0, $0x1;
	[sflag:s22] =	ssyncset.done $0x0  }
0xb4: {  	s0 =	ssub.s32 s0, s11;
	[sflag:s22] =	ssyncadd.s32 $0xFFFFFE00  }
0xb5: {  	s0 =	smax.u32 s0, $0x1;
	_ =	swait.ge [sflag:s22], $0x200  }
0xb6: {  	p0 =	sne.s32 s0, $0x1;
	[sflag:s22] =	ssyncset.done $0x0  }
.Ltmp0:
0xb7: {  	[sflag:s22] =	ssyncadd.s32 $0xFFFFFE00;
	(pc) =	sbr.rel @!p0 .LBB2_2-.Ltmp0, $4  }
0xb8: {  	_ =	swait.ge [sflag:s22], $0x200  }
0xb9: {  	[sflag:s22] =	ssyncset.done $0x0  }
0xba: {  	[sflag:s22] =	ssyncadd.s32 $0xFFFFFE00  }
0xbb: {  	s0 =	sadd.s32 $0xFFFFFFFF, s0;
	_ =	swait.ge [sflag:s22], $0x200  }
.LBB2_1:
0xbc: {  	[sflag:s22] =	ssyncset.done $0x0  }
0xbd: {  	[sflag:s22] =	ssyncadd.s32 $0xFFFFFE00  }
0xbe: {  	_ =	swait.ge [sflag:s22], $0x200  }
0xbf: {  	[sflag:s22] =	ssyncset.done $0x0  }
0xc0: {  	[sflag:s22] =	ssyncadd.s32 $0xFFFFFE00  }
0xc1: {  	_ =	swait.ge [sflag:s22], $0x200  }
0xc2: {  	[sflag:s22] =	ssyncset.done $0x0  }
0xc3: {  	[sflag:s22] =	ssyncadd.s32 $0xFFFFFE00  }
0xc4: {  	_ =	swait.ge [sflag:s22], $0x200  }
0xc5: {  	[sflag:s22] =	ssyncset.done $0x0  }
0xc6: {  	[sflag:s22] =	ssyncadd.s32 $0xFFFFFE00  }
0xc7: {  	_ =	swait.ge [sflag:s22], $0x200  }
0xc8: {  	[sflag:s22] =	ssyncset.done $0x0  }
0xc9: {  	[sflag:s22] =	ssyncadd.s32 $0xFFFFFE00  }
0xca: {  	_ =	swait.ge [sflag:s22], $0x200  }
0xcb: {  	[sflag:s22] =	ssyncset.done $0x0  }
0xcc: {  	[sflag:s22] =	ssyncadd.s32 $0xFFFFFE00  }
0xcd: {  	_ =	swait.ge [sflag:s22], $0x200  }
0xce: {  	[sflag:s22] =	ssyncset.done $0x0  }
0xcf: {  	[sflag:s22] =	ssyncadd.s32 $0xFFFFFE00  }
0xd0: {  	_ =	swait.ge [sflag:s22], $0x200  }
0xd1: {  	[sflag:s22] =	ssyncset.done $0x0  }
0xd2: {  	[sflag:s22] =	ssyncadd.s32 $0xFFFFFE00  }
0xd3: {  	_ =	swait.ge [sflag:s22], $0x200  }
0xd4: {  	s1 =	sld [smem:$0x7F3]  }
0xd5: {  	[sflag:s22] =	ssyncset.done $0x0  }
0xd6: {  	[sflag:s22] =	ssyncadd.s32 $0xFFFFFE00  }
0xd7: {  	[hbm4b:s1+s4] =	stream.strided.scatter [tilespmem:s4], [sflag:$0x2], $0x4000, s20, s4, $0x38;
	[tilespmem:$0x4200] =	vst v63  }
0xd8: {  	_ =	swait.ge [sflag:s3], $0x4000  }
0xd9: {  	[sflag:s3] =	ssyncset.done $0x0  }
0xda: {  	s7 =	rddreg [dreg:$0x4];
	[sflag:s3] =	ssyncadd.s32 $0xFFFFC000  }
0xdb: {  	[tilespmem:s2], [sflag:$0x2] =	stream.linear.gather [hbm4b:s7+s2], $0x200, $0x38;
	[tilespmem:$0x4200] =	vst v63  }
0xdc: {  	_ =	swait.ge [sflag:s3], $0x200  }
0xdd: {  	s1 =	sld [smem:$0x7F4]  }
0xde: {  	s5 =	sld [smem:$0x7F5]  }
0xdf: {  	s6 =	sld [smem:$0x7F6]  }
0xe0: {  	s7 =	rddreg [dreg:$0x5]  }
0xe1: {  	s8 =	sld [smem:$0x7F7]  }
0xe2: {  	s9 =	rddreg [dreg:$0x3]  }
0xe3: {  	[sflag:s3] =	ssyncset.done $0x0;
	s10 =	sld [smem:$0x7F8]  }
0xe4: {  	s11 =	sld [smem:$0x7F9];
	[sflag:s3] =	ssyncadd.s32 $0xFFFFFE00  }
0xe5: {  	[tilespmem:s4], [sflag:$0x1] =	stream.indirect.gather [hbm4b:s9+s4], $0x1, s2, s4, $0xb8;
	[tilespmem:$0x4200] =	vst v63  }
0xe6: {  	s9 =	rddreg [dreg:$0x6]  }
0xe7: {  	[tilespmem:s8], [sflag:$0x1] =	stream.indirect.gather [hbm4b:s7+s4], $0x1, s2, s4, $0xb8;
	[tilespmem:$0x4200] =	vst v63  }
0xe8: {  	s8 =	rddreg [dreg:$0x7]  }
0xe9: {  	[tilespmem:s10], [sflag:$0x1] =	stream.indirect.gather [hbm4b:s9+s4], $0x1, s2, s4, $0xb8;
	[tilespmem:$0x4200] =	vst v63  }
0xea: {  	s7 =	rddreg [dreg:$0xb]  }
0xeb: {  	[tilespmem:s11], [sflag:$0x1] =	stream.indirect.gather [hbm4b:s8+s4], $0x1, s2, s4, $0xb8;
	[tilespmem:$0x4200] =	vst v63  }
0xec: {  	s9 =	rddreg [dreg:$0x8]  }
0xed: {  	[tilespmem:s6], [sflag:$0x1] =	stream.indirect.gather [hbm4b:s9+s4], $0x1, s2, s4, $0xb8;
	[tilespmem:$0x4200] =	vst v63  }
0xee: {  	s10 =	rddreg [dreg:$0x9]  }
0xef: {  	[tilespmem:s5], [sflag:$0x1] =	stream.indirect.gather [hbm4b:s10+s4], $0x1, s2, s4, $0xb8;
	[tilespmem:$0x4200] =	vst v63  }
0xf0: {  	s11 =	rddreg [dreg:$0xa]  }
0xf1: {  	[tilespmem:s1], [sflag:$0x1] =	stream.indirect.gather [hbm4b:s11+s4], $0x1, s2, s4, $0xb8;
	[tilespmem:$0x4200] =	vst v63  }
0xf2: {  	s8 =	rddreg [dreg:$0xc];
	s9 =	simm.s32 $0x1000  }
0xf3: {  	[tilespmem:s9], [sflag:$0x1] =	stream.indirect.gather [hbm4b:s7+s4], $0x1, s2, s4, $0xb8;
	[tilespmem:$0x4200] =	vst v63  }
0xf4: {  	s6 =	rddreg [dreg:$0x18];
	s11 =	simm.s32 $0x1200  }
0xf5: {  	[tilespmem:s11], [sflag:$0x1] =	stream.indirect.gather [hbm4b:s8+s4], $0x1, s2, s4, $0xb8;
	[tilespmem:$0x4200] =	vst v63  }
0xf6: {  	s10 =	rddreg [dreg:$0xd];
	s8 =	simm.s32 $0x1400  }
0xf7: {  	[tilespmem:s8], [sflag:$0x1] =	stream.indirect.gather [hbm4b:s10+s4], $0x1, s2, s4, $0xb8;
	[tilespmem:$0x4200] =	vst v63  }
0xf8: {  	s7 =	rddreg [dreg:$0xe];
	s10 =	simm.s32 $0x1600  }
0xf9: {  	[tilespmem:s10], [sflag:$0x1] =	stream.indirect.gather [hbm4b:s7+s4], $0x1, s2, s4, $0xb8;
	[tilespmem:$0x4200] =	vst v63  }
0xfa: {  	s9 =	rddreg [dreg:$0xf];
	s7 =	simm.s32 $0x1800  }
0xfb: {  	[tilespmem:s7], [sflag:$0x1] =	stream.indirect.gather [hbm4b:s9+s4], $0x1, s2, s4, $0xb8;
	[tilespmem:$0x4200] =	vst v63  }
0xfc: {  	s11 =	rddreg [dreg:$0x10];
	s9 =	simm.s32 $0x1A00  }
0xfd: {  	[tilespmem:s9], [sflag:$0x1] =	stream.indirect.gather [hbm4b:s11+s4], $0x1, s2, s4, $0xb8;
	[tilespmem:$0x4200] =	vst v63  }
0xfe: {  	s8 =	rddreg [dreg:$0x11];
	s11 =	simm.s32 $0x1C00  }
0xff: {  	[tilespmem:s11], [sflag:$0x1] =	stream.indirect.gather [hbm4b:s8+s4], $0x1, s2, s4, $0xb8;
	[tilespmem:$0x4200] =	vst v63  }
0x100: {  	s10 =	rddreg [dreg:$0x12]  }
0x101: {  	[tilespmem:s12], [sflag:$0x1] =	stream.indirect.gather [hbm4b:s10+s4], $0x1, s2, s4, $0xb8;
	[tilespmem:$0x4200] =	vst v63  }
0x102: {  	s7 =	rddreg [dreg:$0x13]  }
0x103: {  	[tilespmem:s13], [sflag:$0x1] =	stream.indirect.gather [hbm4b:s7+s4], $0x1, s2, s4, $0xb8;
	[tilespmem:$0x4200] =	vst v63  }
0x104: {  	s8 =	rddreg [dreg:$0x14]  }
0x105: {  	[tilespmem:s14], [sflag:$0x1] =	stream.indirect.gather [hbm4b:s8+s4], $0x1, s2, s4, $0xb8;
	[tilespmem:$0x4200] =	vst v63  }
0x106: {  	s9 =	rddreg [dreg:$0x15]  }
0x107: {  	[tilespmem:s15], [sflag:$0x1] =	stream.indirect.gather [hbm4b:s9+s4], $0x1, s2, s4, $0xb8;
	[tilespmem:$0x4200] =	vst v63  }
0x108: {  	s10 =	rddreg [dreg:$0x16]  }
0x109: {  	[tilespmem:s16], [sflag:$0x1] =	stream.indirect.gather [hbm4b:s10+s4], $0x1, s2, s4, $0xb8;
	[tilespmem:$0x4200] =	vst v63  }
0x10a: {  	s11 =	rddreg [dreg:$0x17]  }
0x10b: {  	[tilespmem:s17], [sflag:$0x1] =	stream.indirect.gather [hbm4b:s11+s4], $0x1, s2, s4, $0xb8;
	[tilespmem:$0x4200] =	vst v63  }
0x10c: {  	s7 =	rddreg [dreg:$0x19]  }
0x10d: {  	[tilespmem:s18], [sflag:$0x1] =	stream.indirect.gather [hbm4b:s6+s4], $0x1, s2, s4, $0xb8;
	[tilespmem:$0x4200] =	vst v63  }
0x10e: {  	s8 =	rddreg [dreg:$0x1a]  }
0x10f: {  	[tilespmem:s19], [sflag:$0x1] =	stream.indirect.gather [hbm4b:s7+s4], $0x1, s2, s4, $0xb8;
	[tilespmem:$0x4200] =	vst v63  }
0x110: {  	s9 =	rddreg [dreg:$0x1b]  }
0x111: {  	[tilespmem:s21], [sflag:$0x1] =	stream.indirect.gather [hbm4b:s8+s4], $0x1, s2, s4, $0xb8;
	[tilespmem:$0x4200] =	vst v63  }
0x112: {  	s10 =	rddreg [dreg:$0x1c]  }
0x113: {  	[tilespmem:s23], [sflag:$0x1] =	stream.indirect.gather [hbm4b:s9+s4], $0x1, s2, s4, $0xb8;
	[tilespmem:$0x4200] =	vst v63  }
0x114: {  	s11 =	rddreg [dreg:$0x1d]  }
0x115: {  	[tilespmem:s24], [sflag:$0x1] =	stream.indirect.gather [hbm4b:s10+s4], $0x1, s2, s4, $0xb8;
	[tilespmem:$0x4200] =	vst v63  }
0x116: {  	s6 =	rddreg [dreg:$0x1e]  }
0x117: {  	[tilespmem:s25], [sflag:$0x1] =	stream.indirect.gather [hbm4b:s11+s4], $0x1, s2, s4, $0xb8;
	[tilespmem:$0x4200] =	vst v63  }
0x118: {  	s7 =	rddreg [dreg:$0x1f]  }
0x119: {  	[tilespmem:s26], [sflag:$0x1] =	stream.indirect.gather [hbm4b:s6+s4], $0x1, s2, s4, $0xb8;
	[tilespmem:$0x4200] =	vst v63  }
0x11a: {  	s8 =	sld [smem:$0x7FA]  }
0x11b: {  	[tilespmem:s28], [sflag:$0x1] =	stream.indirect.gather [hbm4b:s7+s4], $0x1, s2, s4, $0xb8;
	[tilespmem:$0x4200] =	vst v63  }
0x11c: {  	s9 =	sld [smem:$0x7FB]  }
0x11d: {  	[tilespmem:s29], [sflag:$0x1] =	stream.indirect.gather [hbm4b:s8+s4], $0x1, s2, s4, $0xb8;
	[tilespmem:$0x4200] =	vst v63  }
0x11e: {  	s10 =	sld [smem:$0x7FC]  }
0x11f: {  	[tilespmem:s30], [sflag:$0x1] =	stream.indirect.gather [hbm4b:s9+s4], $0x1, s2, s4, $0xb8;
	[tilespmem:$0x4200] =	vst v63  }
0x120: {  	s11 =	sld [smem:$0x7FD]  }
0x121: {  	[tilespmem:s31], [sflag:$0x1] =	stream.indirect.gather [hbm4b:s10+s4], $0x1, s2, s4, $0xb8;
	[tilespmem:$0x4200] =	vst v63  }
0x122: {  	_ = 	snop  }
0x123: {  	[tilespmem:s20], [sflag:$0x1] =	stream.indirect.gather [hbm4b:s11+s4], $0x1, s2, s4, $0xb8;
	[tilespmem:$0x4200] =	vst v63  }
0x124: {  	_ =	swait.ge [sflag:s22], $0x200  }
0x125: {  	[sflag:s22] =	ssyncset.done $0x0  }
0x126: {  	[sflag:s22] =	ssyncadd.s32 $0xFFFFFE00  }
0x127: {  	_ =	swait.ge [sflag:s22], $0x200  }
0x128: {  	[sflag:s22] =	ssyncset.done $0x0  }
0x129: {  	[sflag:s22] =	ssyncadd.s32 $0xFFFFFE00  }
0x12a: {  	_ =	swait.ge [sflag:s22], $0x200  }
0x12b: {  	[sflag:s22] =	ssyncset.done $0x0  }
0x12c: {  	[sflag:s22] =	ssyncadd.s32 $0xFFFFFE00  }
0x12d: {  	_ =	swait.ge [sflag:s22], $0x200  }
0x12e: {  	[sflag:s22] =	ssyncset.done $0x0  }
0x12f: {  	[sflag:s22] =	ssyncadd.s32 $0xFFFFFE00  }
0x130: {  	_ =	swait.ge [sflag:s22], $0x200  }
0x131: {  	[sflag:s22] =	ssyncset.done $0x0  }
0x132: {  	[sflag:s22] =	ssyncadd.s32 $0xFFFFFE00  }
0x133: {  	_ =	swait.ge [sflag:s22], $0x200  }
0x134: {  	[sflag:s22] =	ssyncset.done $0x0  }
0x135: {  	[sflag:s22] =	ssyncadd.s32 $0xFFFFFE00  }
0x136: {  	_ =	swait.ge [sflag:s22], $0x200  }
0x137: {  	[sflag:s22] =	ssyncset.done $0x0  }
0x138: {  	[sflag:s22] =	ssyncadd.s32 $0xFFFFFE00  }
0x139: {  	_ =	swait.ge [sflag:s22], $0x200  }
0x13a: {  	[sflag:s22] =	ssyncset.done $0x0  }
0x13b: {  	[sflag:s22] =	ssyncadd.s32 $0xFFFFFE00  }
0x13c: {  	_ =	swait.ge [sflag:s22], $0x200  }
0x13d: {  	[sflag:s22] =	ssyncset.done $0x0  }
0x13e: {  	[sflag:s22] =	ssyncadd.s32 $0xFFFFFE00  }
0x13f: {  	_ =	swait.ge [sflag:s22], $0x200  }
0x140: {  	[sflag:s22] =	ssyncset.done $0x0  }
0x141: {  	[sflag:s22] =	ssyncadd.s32 $0xFFFFFE00  }
0x142: {  	_ =	swait.ge [sflag:s22], $0x200  }
0x143: {  	[sflag:s22] =	ssyncset.done $0x0  }
0x144: {  	[sflag:s22] =	ssyncadd.s32 $0xFFFFFE00  }
0x145: {  	_ =	swait.ge [sflag:s22], $0x200  }
0x146: {  	[sflag:s22] =	ssyncset.done $0x0  }
0x147: {  	[sflag:s22] =	ssyncadd.s32 $0xFFFFFE00  }
0x148: {  	_ =	swait.ge [sflag:s22], $0x200  }
0x149: {  	[sflag:s22] =	ssyncset.done $0x0  }
0x14a: {  	[sflag:s22] =	ssyncadd.s32 $0xFFFFFE00  }
0x14b: {  	_ =	swait.ge [sflag:s22], $0x200  }
0x14c: {  	[sflag:s22] =	ssyncset.done $0x0  }
0x14d: {  	[sflag:s22] =	ssyncadd.s32 $0xFFFFFE00  }
0x14e: {  	_ =	swait.ge [sflag:s22], $0x200  }
0x14f: {  	[sflag:s22] =	ssyncset.done $0x0  }
0x150: {  	[sflag:s22] =	ssyncadd.s32 $0xFFFFFE00  }
0x151: {  	_ =	swait.ge [sflag:s22], $0x200  }
0x152: {  	[sflag:s22] =	ssyncset.done $0x0  }
0x153: {  	[sflag:s22] =	ssyncadd.s32 $0xFFFFFE00  }
0x154: {  	_ =	swait.ge [sflag:s22], $0x200  }
0x155: {  	[sflag:s22] =	ssyncset.done $0x0  }
0x156: {  	[sflag:s22] =	ssyncadd.s32 $0xFFFFFE00  }
0x157: {  	_ =	swait.ge [sflag:s22], $0x200  }
0x158: {  	[sflag:s22] =	ssyncset.done $0x0  }
0x159: {  	[sflag:s22] =	ssyncadd.s32 $0xFFFFFE00  }
0x15a: {  	_ =	swait.ge [sflag:s22], $0x200  }
0x15b: {  	[sflag:s22] =	ssyncset.done $0x0  }
0x15c: {  	[sflag:s22] =	ssyncadd.s32 $0xFFFFFE00  }
0x15d: {  	_ =	swait.ge [sflag:s22], $0x200  }
0x15e: {  	[sflag:s22] =	ssyncset.done $0x0  }
0x15f: {  	[sflag:s22] =	ssyncadd.s32 $0xFFFFFE00  }
0x160: {  	_ =	swait.ge [sflag:s22], $0x200  }
0x161: {  	[sflag:s22] =	ssyncset.done $0x0  }
0x162: {  	[sflag:s22] =	ssyncadd.s32 $0xFFFFFE00  }
0x163: {  	_ =	swait.ge [sflag:s22], $0x200  }
0x164: {  	p0 =	sne.s32 s0, $0x1;
	[sflag:s22] =	ssyncset.done $0x0  }
.Ltmp1:
0x165: {  	[sflag:s22] =	ssyncadd.s32 $0xFFFFFE00;
	(pc) =	sbr.rel @p0 .LBB2_1-.Ltmp1, $4  }
0x166: {  	_ =	swait.ge [sflag:s22], $0x200  }
0x167: {  	[sflag:s22] =	ssyncset.done $0x0  }
0x168: {  	[sflag:s22] =	ssyncadd.s32 $0xFFFFFE00  }
0x169: {  	s0 =	sadd.s32 $0xFFFFFFFF, s0;
	_ =	swait.ge [sflag:s22], $0x200  }
.LBB2_2:
0x16a: {  	[sflag:s22] =	ssyncset.done $0x0  }
0x16b: {  	[sflag:s22] =	ssyncadd.s32 $0xFFFFFE00  }
0x16c: {  	_ =	swait.ge [sflag:s22], $0x200  }
0x16d: {  	[sflag:s22] =	ssyncset.done $0x0  }
0x16e: {  	[sflag:s22] =	ssyncadd.s32 $0xFFFFFE00  }
0x16f: {  	_ =	swait.ge [sflag:s22], $0x200  }
0x170: {  	[sflag:s22] =	ssyncset.done $0x0  }
0x171: {  	[sflag:s22] =	ssyncadd.s32 $0xFFFFFE00  }
0x172: {  	_ =	swait.ge [sflag:s22], $0x200  }
0x173: {  	[sflag:s22] =	ssyncset.done $0x0  }
0x174: {  	[sflag:s22] =	ssyncadd.s32 $0xFFFFFE00  }
0x175: {  	_ =	swait.ge [sflag:s22], $0x200  }
0x176: {  	[sflag:s22] =	ssyncset.done $0x0  }
0x177: {  	[sflag:s22] =	ssyncadd.s32 $0xFFFFFE00  }
0x178: {  	_ =	swait.ge [sflag:s22], $0x200  }
0x179: {  	[sflag:s22] =	ssyncset.done $0x0  }
0x17a: {  	[sflag:s22] =	ssyncadd.s32 $0xFFFFFE00  }
0x17b: {  	_ =	swait.ge [sflag:s22], $0x200  }
0x17c: {  	[sflag:s22] =	ssyncset.done $0x0  }
0x17d: {  	[sflag:s22] =	ssyncadd.s32 $0xFFFFFE00  }
0x17e: {  	_ =	swait.ge [sflag:s22], $0x200  }
0x17f: {  	[sflag:s22] =	ssyncset.done $0x0  }
0x180: {  	[sflag:s22] =	ssyncadd.s32 $0xFFFFFE00  }
0x181: {  	_ =	swait.ge [sflag:s22], $0x200  }
0x182: {  	s0 =	sld [smem:$0x7F3]  }
0x183: {  	[sflag:s22] =	ssyncset.done $0x0  }
0x184: {  	[sflag:s22] =	ssyncadd.s32 $0xFFFFFE00  }
0x185: {  	[hbm4b:s0+s4] =	stream.strided.scatter [tilespmem:s4], [sflag:$0x2], $0x4000, s20, s4, $0x38;
	[tilespmem:$0x4200] =	vst v63  }
0x186: {  	_ =	swait.ge [sflag:s3], $0x4000  }
0x187: {  	[sflag:s3] =	ssyncset.done $0x0  }
0x188: {  	[sflag:s3] =	ssyncadd.s32 $0xFFFFC000  }
0x189: {  	_ =	sfence.sel $0x180000  }
0x18a: {  	[bflag:$0x0] =	sbarrier.arrive $0xFFFF  }
0x18b: {  	_ =	strace $0x90000047  }
0x18c: {  	s31 =	stileid.u32;
	[bflag:$0x2] =	sbarrier.arrive $0xFFFF  }
0x18d: {  	p0 =	sne.s32 s31, $0x0;
	s0 =	rddreg [dreg:$0x2]  }
0x18e: {  	s0 =	sadd.s32 @!p0 $0x100000, s0  }
0x18f: {  	[sflag:s0] =	ssyncadd.tile.s32 @!p0 $0x1;
	_ =	shalt  }
.Lfunc_end2:
_tile_overlayer_lowered:
.L_overlay_start_2:
0x190: {  	(tag) =	ssettag $0x2  }
0x191: {  	s0 =	rddreg [dreg:$0x0];
	s2 =	stileid.u32  }
0x192: {  	s1 =	rddreg [dreg:$0x1];
	p0 =	sne.s32 s2, $0x0  }
0x193: {  	s3 =	rddreg [dreg:$0x2];
	[bflag:$0x3] =	sbarrier.arrive $0xFFFF;
	s2 =	simm.s32 @!p0 $0x1C02  }
0x194: {  	[timem:s3], [sflag:s2] =	dma.local @!p0 [hbm:s0], s1  }
0x195: {  	s0 =	simm.s32 @!p0 $0x2  }
0x196: {  	_ =	swait.ge @!p0 [sflag:s0], s1  }
0x197: {  	s1 =	ssub.s32 @!p0 $0x0, s1;
	[sflag:s0] =	ssyncset.done @!p0 $0x0  }
0x198: {  	[sflag:s0] =	ssyncadd.s32 @!p0 s1  }
0x199: {  	[bflag:$0x3] =	sbarrier.arrive $0xFFFF  }
0x19a: {  	_ =	shalt  }

</sc_bundles>
